<compile_context>
chip_gen: v7x
topology: tpu7x:2x2x1
jax: 0.10.2.dev20260603
libtpu: 0.0.44.dev20260713+nightly
codegen_flags: <defaults>
</compile_context>

<pallas_src>
import functools

import jax
import jax.numpy as jnp
from jax import lax
from jax.experimental import pallas as pl
from jax.experimental.pallas import tpu as pltpu
from jax.experimental.pallas import tpu_sc as plsc

VOCAB = 100000
HIDDEN = 2048
B = 16384

_NC = 2
_NS = 16
_NW = _NC * _NS
_BPW = B // _NW
_C = 24
_NFULL = _BPW // _C
_TAIL = _BPW - _NFULL * _C

_mesh = plsc.VectorSubcoreMesh(core_axis_name="c", subcore_axis_name="s")


@functools.partial(
    pl.kernel,
    mesh=_mesh,
    out_type=jax.ShapeDtypeStruct((4, 4096, HIDDEN), jnp.float32),
    scratch_types=[
        pltpu.VMEM((_BPW,), jnp.int32),
        pltpu.VMEM((_C, HIDDEN), jnp.float32),
        pltpu.VMEM((_C, HIDDEN), jnp.float32),
        pltpu.SemaphoreType.DMA,
        pltpu.SemaphoreType.DMA,
        pltpu.SemaphoreType.DMA,
        pltpu.SemaphoreType.DMA,
    ],
)
def _emb_lookup(ids_hbm, table_hbm, out_hbm, idx_v, rows0, rows1,
                gsem0, gsem1, osem0, osem1):
    wid = lax.axis_index("s") * _NC + lax.axis_index("c")
    brow = wid // 8
    col = (wid % 8) * _BPW
    pltpu.sync_copy(ids_hbm.at[brow, pl.ds(col, _BPW)], idx_v)

    bufs = (rows0, rows1)
    gsems = (gsem0, gsem1)
    osems = (osem0, osem1)

    def gather_start(g, slot, n=_C):
        c0 = pl.multiple_of(g * _C, 8)
        pltpu.async_copy(table_hbm.at[idx_v.at[pl.ds(c0, n)]],
                         bufs[slot].at[pl.ds(0, n)], gsems[slot])

    def gather_wait(g, slot, n=_C):
        c0 = pl.multiple_of(g * _C, 8)
        pltpu.make_async_copy(table_hbm.at[idx_v.at[pl.ds(c0, n)]],
                              bufs[slot].at[pl.ds(0, n)], gsems[slot]).wait()

    def put_start(g, slot, n=_C):
        c0 = pl.multiple_of(g * _C, 8)
        pltpu.async_copy(bufs[slot].at[pl.ds(0, n)],
                         out_hbm.at[brow, pl.ds(col + c0, n)], osems[slot])

    def put_wait(g, slot, n=_C):
        c0 = pl.multiple_of(g * _C, 8)
        pltpu.make_async_copy(bufs[slot].at[pl.ds(0, n)],
                              out_hbm.at[brow, pl.ds(col + c0, n)],
                              osems[slot]).wait()

    def step(g, slot, n=_C):
        gather_wait(g, slot, n)
        put_start(g, slot, n)
        put_wait(g, slot, n)

    gather_start(0, 0)
    gather_start(1, 1)

    def pair(p, carry):
        g0 = p * 2
        step(g0, 0)
        gather_start(g0 + 2, 0)
        step(g0 + 1, 1)
        gather_start(g0 + 3, 1)
        return carry

    lax.fori_loop(0, (_NFULL - 3) // 2, pair, 0)
    step(18, 0)
    gather_start(20, 0)
    step(19, 1)
    gather_start(21, 1, _TAIL)
    step(20, 0)
    step(21, 1, _TAIL)


def kernel(input_ids, word_embeddings):
    return _emb_lookup(input_ids, word_embeddings)

# --- scband reference (transcript-rebuilt; emitter-appended) ---
"""Pipeline reference for scband-embedding-35493609734508 (READ-ONLY COPY).

The authoritative reference and input builder live on the scoring server;
editing this copy changes nothing except your own understanding.
"""

import jax, jax.numpy as jnp
import numpy as np

VOCAB = 100000
HIDDEN = 2048
BATCH = 4
SEQ = 4096

def setup_inputs(seed: int = 0) -> dict:
    key = jax.random.key(seed)
    k_ids, k_tab = jax.random.split(key)
    input_ids = jax.random.randint(k_ids, (BATCH, SEQ), 0, VOCAB, dtype=jnp.int64 if jax.config.jax_enable_x64 else jnp.int32)
    word_embeddings = jax.random.normal(k_tab, (VOCAB, HIDDEN), dtype=jnp.float32) * 0.02
    return {"input_ids": input_ids, "word_embeddings": word_embeddings}

def reference(input_ids, word_embeddings):
    # words_embeddings = self.word_embeddings(input_ids)
    words_embeddings = jnp.take(word_embeddings, input_ids, axis=0)
    embeddings = words_embeddings
    # fp32_residual_connection = False -> no cast needed (already float32)
    return embeddings

if __name__ == "__main__":
    import jax
    _d = setup_inputs()
    print(jax.jit(kernel)(*tuple(_d.values())))

</pallas_src>

<mosaic_0001>
#map = affine_map<(d0, d1) -> (0, 0)>
#map1 = affine_map<(d0, d1) -> (0, 0, 0)>
module attributes {stable_mosaic.version = 14 : i64} {
  func.func @_emb_lookup(%arg0: i32, %arg1: i32, %arg2: memref<4x4096xi32, #tpu.memory_space<hbm>>, %arg3: memref<100000x2048xf32, #tpu.memory_space<hbm>>, %arg4: memref<4x4096x2048xf32, #tpu.memory_space<hbm>>, %arg5: memref<512xi32, #tpu.memory_space<vmem>>, %arg6: memref<24x2048xf32, #tpu.memory_space<vmem>>, %arg7: memref<24x2048xf32, #tpu.memory_space<vmem>>, %arg8: memref<!tpu.dma_semaphore, #tpu.memory_space<semaphore_mem>>, %arg9: memref<!tpu.dma_semaphore, #tpu.memory_space<semaphore_mem>>, %arg10: memref<!tpu.dma_semaphore, #tpu.memory_space<semaphore_mem>>, %arg11: memref<!tpu.dma_semaphore, #tpu.memory_space<semaphore_mem>>) attributes {dimension_semantics = [#tpu.dimension_semantics<core_parallel>, #tpu.dimension_semantics<subcore_parallel>], iteration_bounds = array<i64: 2, 16>, scalar_prefetch = 0 : i64, scratch_operands = 7 : i64, tpu.core_type = #tpu.core_type<sc_vector_subcore>, window_params = [{transform_indices = #map}, {transform_indices = #map}, {transform_indices = #map1}]} {
    %mul3A = arith.constant 2 : i32
    %mul3A_0 = arith.muli %arg1, %mul3A : i32
    %add3A = arith.addi %mul3A_0, %arg0 : i32
    %jit3A = arith.constant 8 : i32
    %div3A = arith.divsi %add3A, %jit3A : i32
    %sign3A = arith.constant 0 : i32
    %sign3A_1 = arith.cmpi sgt, %add3A, %sign3A : i32
    %sign3A_2 = arith.extui %sign3A_1 : i1 to i32
    %sign3A_3 = arith.constant 0 : i32
    %sign3A_4 = arith.cmpi slt, %add3A, %sign3A_3 : i32
    %sign3A_5 = arith.extui %sign3A_4 : i1 to i32
    %sign3A_6 = arith.subi %sign3A_2, %sign3A_5 : i32
    %sign3A_7 = arith.constant 0 : i32
    %sign3A_8 = arith.cmpi sgt, %jit3A, %sign3A_7 : i32
    %sign3A_9 = arith.extui %sign3A_8 : i1 to i32
    %sign3A_10 = arith.constant 0 : i32
    %sign3A_11 = arith.cmpi slt, %jit3A, %sign3A_10 : i32
    %sign3A_12 = arith.extui %sign3A_11 : i1 to i32
    %sign3A_13 = arith.subi %sign3A_9, %sign3A_12 : i32
    %ne3A = arith.cmpi ne, %sign3A_6, %sign3A_13 : i32
    %rem3A = arith.remsi %add3A, %jit3A : i32
    %ne3A_14 = arith.constant 0 : i32
    %ne3A_15 = arith.cmpi ne, %rem3A, %ne3A_14 : i32
    %and3A = arith.andi %ne3A, %ne3A_15 : i1
    %sub3A = arith.constant 1 : i32
    %sub3A_16 = arith.subi %div3A, %sub3A : i32
    %select_n3A = arith.select %and3A, %sub3A_16, %div3A : i32
    %jit3A_17 = arith.constant 8 : i32
    %eq3A = arith.constant 0 : i32
    %eq3A_18 = arith.cmpi eq, %jit3A_17, %eq3A : i32
    %jit3A_19 = arith.constant 1 : i32
    %select_n3A_20 = arith.select %eq3A_18, %jit3A_19, %jit3A_17 : i32
    %rem3A_21 = arith.remsi %add3A, %select_n3A_20 : i32
    %ne3A_22 = arith.constant 0 : i32
    %ne3A_23 = arith.cmpi ne, %rem3A_21, %ne3A_22 : i32
    %lt3A = arith.constant 0 : i32
    %lt3A_24 = arith.cmpi slt, %rem3A_21, %lt3A : i32
    %lt3A_25 = arith.constant 0 : i32
    %lt3A_26 = arith.cmpi slt, %select_n3A_20, %lt3A_25 : i32
    %ne3A_27 = arith.xori %lt3A_24, %lt3A_26 : i1
    %and3A_28 = arith.andi %ne3A_27, %ne3A_23 : i1
    %add3A_29 = arith.addi %rem3A_21, %select_n3A_20 : i32
    %select_n3A_30 = arith.select %and3A_28, %add3A_29, %rem3A_21 : i32
    %mul3A_31 = arith.constant 512 : i32
    %mul3A_32 = arith.muli %select_n3A_30, %mul3A_31 : i32
    "tpu.region"() ({
      %run_scoped3A = tpu.sem_alloc : memref<!tpu.dma_semaphore, #tpu.memory_space<semaphore_mem>>
      %dma_start3A_227 = tpu.memref_slice %arg2[%select_n3A, %mul3A_32] : memref<4x4096xi32, #tpu.memory_space<hbm>> -> memref<1x512xi32, #tpu.memory_space<hbm>>
      %dma_start3A_228 = tpu.memref_squeeze %dma_start3A_227 : memref<1x512xi32, #tpu.memory_space<hbm>> -> memref<512xi32, #tpu.memory_space<hbm>>
      %dma_start3A_229 = tpu.memref_slice %arg2[%select_n3A, %mul3A_32] : memref<4x4096xi32, #tpu.memory_space<hbm>> -> memref<1x512xi32, #tpu.memory_space<hbm>>
      %dma_start3A_230 = tpu.memref_squeeze %dma_start3A_229 : memref<1x512xi32, #tpu.memory_space<hbm>> -> memref<512xi32, #tpu.memory_space<hbm>>
      tpu.enqueue_dma source(%dma_start3A_230 : memref<512xi32, #tpu.memory_space<hbm>>) target(%arg5 : memref<512xi32, #tpu.memory_space<vmem>>) target_semaphore(%run_scoped3A : memref<!tpu.dma_semaphore, #tpu.memory_space<semaphore_mem>>)
      %dma_wait3A_231 = tpu.memref_slice %arg2[%select_n3A, %mul3A_32] : memref<4x4096xi32, #tpu.memory_space<hbm>> -> memref<1x512xi32, #tpu.memory_space<hbm>>
      %dma_wait3A_232 = tpu.memref_squeeze %dma_wait3A_231 : memref<1x512xi32, #tpu.memory_space<hbm>> -> memref<512xi32, #tpu.memory_space<hbm>>
      %dma_wait3A_233 = tpu.memref_slice %arg2[%select_n3A, %mul3A_32] : memref<4x4096xi32, #tpu.memory_space<hbm>> -> memref<1x512xi32, #tpu.memory_space<hbm>>
      %dma_wait3A_234 = tpu.memref_squeeze %dma_wait3A_233 : memref<1x512xi32, #tpu.memory_space<hbm>> -> memref<512xi32, #tpu.memory_space<hbm>>
      tpu.wait_dma2 semaphore(%run_scoped3A : memref<!tpu.dma_semaphore, #tpu.memory_space<semaphore_mem>>) src(%dma_wait3A_234 : memref<512xi32, #tpu.memory_space<hbm>>) dst(%arg5 : memref<512xi32, #tpu.memory_space<vmem>>)
      tpu.yield
    }) : () -> ()
    %multiple_of3A = arith.constant 0 : i32
    %multiple_of3A_33 = tpu.assume_multiple %multiple_of3A, 8 : i32
    %dma_start3A = arith.constant 0 : i32
    %dma_start3A_34 = arith.constant 0 : i32
    %dma_start3A_35 = tpu.memref_slice %arg6[%dma_start3A, %dma_start3A_34] : memref<24x2048xf32, #tpu.memory_space<vmem>> -> memref<24x2048xf32, #tpu.memory_space<vmem>>
    %dma_start3A_36 = tpu.memref_slice %arg5[%multiple_of3A_33] : memref<512xi32, #tpu.memory_space<vmem>> -> memref<24xi32, #tpu.memory_space<vmem>>
    %dma_start3A_37 = arith.constant 0 : i32
    %dma_start3A_38 = arith.constant 0 : i32
    %dma_start3A_39 = tpu.memref_slice %arg3[%dma_start3A_37, %dma_start3A_38] : memref<100000x2048xf32, #tpu.memory_space<hbm>> -> memref<100000x2048xf32, #tpu.memory_space<hbm>>
    tpu.enqueue_indirect_dma source(%dma_start3A_39 : memref<100000x2048xf32, #tpu.memory_space<hbm>>) target(%dma_start3A_35 : memref<24x2048xf32, #tpu.memory_space<vmem>>) offsets(%dma_start3A_36 : memref<24xi32, #tpu.memory_space<vmem>>) semaphore(%arg8 : memref<!tpu.dma_semaphore, #tpu.memory_space<semaphore_mem>>)
    %multiple_of3A_40 = arith.constant 24 : i32
    %multiple_of3A_41 = tpu.assume_multiple %multiple_of3A_40, 8 : i32
    %dma_start3A_42 = arith.constant 0 : i32
    %dma_start3A_43 = arith.constant 0 : i32
    %dma_start3A_44 = tpu.memref_slice %arg7[%dma_start3A_42, %dma_start3A_43] : memref<24x2048xf32, #tpu.memory_space<vmem>> -> memref<24x2048xf32, #tpu.memory_space<vmem>>
    %dma_start3A_45 = tpu.memref_slice %arg5[%multiple_of3A_41] : memref<512xi32, #tpu.memory_space<vmem>> -> memref<24xi32, #tpu.memory_space<vmem>>
    %dma_start3A_46 = arith.constant 0 : i32
    %dma_start3A_47 = arith.constant 0 : i32
    %dma_start3A_48 = tpu.memref_slice %arg3[%dma_start3A_46, %dma_start3A_47] : memref<100000x2048xf32, #tpu.memory_space<hbm>> -> memref<100000x2048xf32, #tpu.memory_space<hbm>>
    tpu.enqueue_indirect_dma source(%dma_start3A_48 : memref<100000x2048xf32, #tpu.memory_space<hbm>>) target(%dma_start3A_44 : memref<24x2048xf32, #tpu.memory_space<vmem>>) offsets(%dma_start3A_45 : memref<24xi32, #tpu.memory_space<vmem>>) semaphore(%arg9 : memref<!tpu.dma_semaphore, #tpu.memory_space<semaphore_mem>>)
    %scan3A = arith.constant 0 : i32
    %scan3A_49 = arith.constant 0 : i32
    %scan3A_50 = arith.constant 9 : i32
    %scan3A_51 = arith.addi %scan3A_49, %scan3A_50 : i32
    %scan3A_52 = arith.constant 1 : i32
    scf.for %scan3A_227 = %scan3A_49 to %scan3A_51 step %scan3A_52  : i32 {
      %mul3A_228 = arith.constant 2 : i32
      %mul3A_229 = arith.muli %scan3A_227, %mul3A_228 : i32
      %mul3A_230 = arith.constant 24 : i32
      %mul3A_231 = arith.muli %mul3A_229, %mul3A_230 : i32
      %multiple_of3A_232 = tpu.assume_multiple %mul3A_231, 8 : i32
      %dma_wait3A_233 = arith.constant 0 : i32
      %dma_wait3A_234 = arith.constant 0 : i32
      %dma_wait3A_235 = tpu.memref_slice %arg6[%dma_wait3A_233, %dma_wait3A_234] : memref<24x2048xf32, #tpu.memory_space<vmem>> -> memref<24x2048xf32, #tpu.memory_space<vmem>>
      %dma_wait3A_236 = tpu.memref_slice %arg5[%multiple_of3A_232] : memref<512xi32, #tpu.memory_space<vmem>> -> memref<24xi32, #tpu.memory_space<vmem>>
      %dma_wait3A_237 = arith.constant 0 : i32
      %dma_wait3A_238 = arith.constant 0 : i32
      %dma_wait3A_239 = tpu.memref_slice %arg3[%dma_wait3A_237, %dma_wait3A_238] : memref<100000x2048xf32, #tpu.memory_space<hbm>> -> memref<100000x2048xf32, #tpu.memory_space<hbm>>
      tpu.wait_indirect_dma semaphore(%arg8 : memref<!tpu.dma_semaphore, #tpu.memory_space<semaphore_mem>>) src(%dma_wait3A_239 : memref<100000x2048xf32, #tpu.memory_space<hbm>>) dst(%dma_wait3A_235 : memref<24x2048xf32, #tpu.memory_space<vmem>>)
      %mul3A_240 = arith.constant 24 : i32
      %mul3A_241 = arith.muli %mul3A_229, %mul3A_240 : i32
      %multiple_of3A_242 = tpu.assume_multiple %mul3A_241, 8 : i32
      %add3A_243 = arith.addi %mul3A_32, %multiple_of3A_242 : i32
      %dma_start3A_244 = arith.constant 0 : i32
      %dma_start3A_245 = arith.constant 0 : i32
      %dma_start3A_246 = tpu.memref_slice %arg6[%dma_start3A_244, %dma_start3A_245] : memref<24x2048xf32, #tpu.memory_space<vmem>> -> memref<24x2048xf32, #tpu.memory_space<vmem>>
      %dma_start3A_247 = arith.constant 0 : i32
      %dma_start3A_248 = tpu.memref_slice %arg4[%select_n3A, %add3A_243, %dma_start3A_247] : memref<4x4096x2048xf32, #tpu.memory_space<hbm>> -> memref<1x24x2048xf32, #tpu.memory_space<hbm>>
      %dma_start3A_249 = tpu.memref_squeeze %dma_start3A_248 : memref<1x24x2048xf32, #tpu.memory_space<hbm>> -> memref<24x2048xf32, #tpu.memory_space<hbm>>
      %dma_start3A_250 = arith.constant 0 : i32
      %dma_start3A_251 = tpu.memref_slice %arg4[%select_n3A, %add3A_243, %dma_start3A_250] : memref<4x4096x2048xf32, #tpu.memory_space<hbm>> -> memref<1x24x2048xf32, #tpu.memory_space<hbm>>
      %dma_start3A_252 = tpu.memref_squeeze %dma_start3A_251 : memref<1x24x2048xf32, #tpu.memory_space<hbm>> -> memref<24x2048xf32, #tpu.memory_space<hbm>>
      %dma_start3A_253 = arith.constant 0 : i32
      %dma_start3A_254 = arith.constant 0 : i32
      %dma_start3A_255 = tpu.memref_slice %arg6[%dma_start3A_253, %dma_start3A_254] : memref<24x2048xf32, #tpu.memory_space<vmem>> -> memref<24x2048xf32, #tpu.memory_space<vmem>>
      tpu.enqueue_dma source(%dma_start3A_255 : memref<24x2048xf32, #tpu.memory_space<vmem>>) target(%dma_start3A_252 : memref<24x2048xf32, #tpu.memory_space<hbm>>) target_semaphore(%arg10 : memref<!tpu.dma_semaphore, #tpu.memory_space<semaphore_mem>>)
      %mul3A_256 = arith.constant 24 : i32
      %mul3A_257 = arith.muli %mul3A_229, %mul3A_256 : i32
      %multiple_of3A_258 = tpu.assume_multiple %mul3A_257, 8 : i32
      %add3A_259 = arith.addi %mul3A_32, %multiple_of3A_258 : i32
      %dma_wait3A_260 = arith.constant 0 : i32
      %dma_wait3A_261 = arith.constant 0 : i32
      %dma_wait3A_262 = tpu.memref_slice %arg6[%dma_wait3A_260, %dma_wait3A_261] : memref<24x2048xf32, #tpu.memory_space<vmem>> -> memref<24x2048xf32, #tpu.memory_space<vmem>>
      %dma_wait3A_263 = arith.constant 0 : i32
      %dma_wait3A_264 = tpu.memref_slice %arg4[%select_n3A, %add3A_259, %dma_wait3A_263] : memref<4x4096x2048xf32, #tpu.memory_space<hbm>> -> memref<1x24x2048xf32, #tpu.memory_space<hbm>>
      %dma_wait3A_265 = tpu.memref_squeeze %dma_wait3A_264 : memref<1x24x2048xf32, #tpu.memory_space<hbm>> -> memref<24x2048xf32, #tpu.memory_space<hbm>>
      %dma_wait3A_266 = arith.constant 0 : i32
      %dma_wait3A_267 = tpu.memref_slice %arg4[%select_n3A, %add3A_259, %dma_wait3A_266] : memref<4x4096x2048xf32, #tpu.memory_space<hbm>> -> memref<1x24x2048xf32, #tpu.memory_space<hbm>>
      %dma_wait3A_268 = tpu.memref_squeeze %dma_wait3A_267 : memref<1x24x2048xf32, #tpu.memory_space<hbm>> -> memref<24x2048xf32, #tpu.memory_space<hbm>>
      %dma_wait3A_269 = arith.constant 0 : i32
      %dma_wait3A_270 = arith.constant 0 : i32
      %dma_wait3A_271 = tpu.memref_slice %arg6[%dma_wait3A_269, %dma_wait3A_270] : memref<24x2048xf32, #tpu.memory_space<vmem>> -> memref<24x2048xf32, #tpu.memory_space<vmem>>
      tpu.wait_dma2 semaphore(%arg10 : memref<!tpu.dma_semaphore, #tpu.memory_space<semaphore_mem>>) src(%dma_wait3A_271 : memref<24x2048xf32, #tpu.memory_space<vmem>>) dst(%dma_wait3A_268 : memref<24x2048xf32, #tpu.memory_space<hbm>>)
      %add3A_272 = arith.constant 2 : i32
      %add3A_273 = arith.addi %mul3A_229, %add3A_272 : i32
      %mul3A_274 = arith.constant 24 : i32
      %mul3A_275 = arith.muli %add3A_273, %mul3A_274 : i32
      %multiple_of3A_276 = tpu.assume_multiple %mul3A_275, 8 : i32
      %dma_start3A_277 = arith.constant 0 : i32
      %dma_start3A_278 = arith.constant 0 : i32
      %dma_start3A_279 = tpu.memref_slice %arg6[%dma_start3A_277, %dma_start3A_278] : memref<24x2048xf32, #tpu.memory_space<vmem>> -> memref<24x2048xf32, #tpu.memory_space<vmem>>
      %dma_start3A_280 = tpu.memref_slice %arg5[%multiple_of3A_276] : memref<512xi32, #tpu.memory_space<vmem>> -> memref<24xi32, #tpu.memory_space<vmem>>
      %dma_start3A_281 = arith.constant 0 : i32
      %dma_start3A_282 = arith.constant 0 : i32
      %dma_start3A_283 = tpu.memref_slice %arg3[%dma_start3A_281, %dma_start3A_282] : memref<100000x2048xf32, #tpu.memory_space<hbm>> -> memref<100000x2048xf32, #tpu.memory_space<hbm>>
      tpu.enqueue_indirect_dma source(%dma_start3A_283 : memref<100000x2048xf32, #tpu.memory_space<hbm>>) target(%dma_start3A_279 : memref<24x2048xf32, #tpu.memory_space<vmem>>) offsets(%dma_start3A_280 : memref<24xi32, #tpu.memory_space<vmem>>) semaphore(%arg8 : memref<!tpu.dma_semaphore, #tpu.memory_space<semaphore_mem>>)
      %add3A_284 = arith.constant 1 : i32
      %add3A_285 = arith.addi %mul3A_229, %add3A_284 : i32
      %mul3A_286 = arith.constant 24 : i32
      %mul3A_287 = arith.muli %add3A_285, %mul3A_286 : i32
      %multiple_of3A_288 = tpu.assume_multiple %mul3A_287, 8 : i32
      %dma_wait3A_289 = arith.constant 0 : i32
      %dma_wait3A_290 = arith.constant 0 : i32
      %dma_wait3A_291 = tpu.memref_slice %arg7[%dma_wait3A_289, %dma_wait3A_290] : memref<24x2048xf32, #tpu.memory_space<vmem>> -> memref<24x2048xf32, #tpu.memory_space<vmem>>
      %dma_wait3A_292 = tpu.memref_slice %arg5[%multiple_of3A_288] : memref<512xi32, #tpu.memory_space<vmem>> -> memref<24xi32, #tpu.memory_space<vmem>>
      %dma_wait3A_293 = arith.constant 0 : i32
      %dma_wait3A_294 = arith.constant 0 : i32
      %dma_wait3A_295 = tpu.memref_slice %arg3[%dma_wait3A_293, %dma_wait3A_294] : memref<100000x2048xf32, #tpu.memory_space<hbm>> -> memref<100000x2048xf32, #tpu.memory_space<hbm>>
      tpu.wait_indirect_dma semaphore(%arg9 : memref<!tpu.dma_semaphore, #tpu.memory_space<semaphore_mem>>) src(%dma_wait3A_295 : memref<100000x2048xf32, #tpu.memory_space<hbm>>) dst(%dma_wait3A_291 : memref<24x2048xf32, #tpu.memory_space<vmem>>)
      %mul3A_296 = arith.constant 24 : i32
      %mul3A_297 = arith.muli %add3A_285, %mul3A_296 : i32
      %multiple_of3A_298 = tpu.assume_multiple %mul3A_297, 8 : i32
      %add3A_299 = arith.addi %mul3A_32, %multiple_of3A_298 : i32
      %dma_start3A_300 = arith.constant 0 : i32
      %dma_start3A_301 = arith.constant 0 : i32
      %dma_start3A_302 = tpu.memref_slice %arg7[%dma_start3A_300, %dma_start3A_301] : memref<24x2048xf32, #tpu.memory_space<vmem>> -> memref<24x2048xf32, #tpu.memory_space<vmem>>
      %dma_start3A_303 = arith.constant 0 : i32
      %dma_start3A_304 = tpu.memref_slice %arg4[%select_n3A, %add3A_299, %dma_start3A_303] : memref<4x4096x2048xf32, #tpu.memory_space<hbm>> -> memref<1x24x2048xf32, #tpu.memory_space<hbm>>
      %dma_start3A_305 = tpu.memref_squeeze %dma_start3A_304 : memref<1x24x2048xf32, #tpu.memory_space<hbm>> -> memref<24x2048xf32, #tpu.memory_space<hbm>>
      %dma_start3A_306 = arith.constant 0 : i32
      %dma_start3A_307 = tpu.memref_slice %arg4[%select_n3A, %add3A_299, %dma_start3A_306] : memref<4x4096x2048xf32, #tpu.memory_space<hbm>> -> memref<1x24x2048xf32, #tpu.memory_space<hbm>>
      %dma_start3A_308 = tpu.memref_squeeze %dma_start3A_307 : memref<1x24x2048xf32, #tpu.memory_space<hbm>> -> memref<24x2048xf32, #tpu.memory_space<hbm>>
      %dma_start3A_309 = arith.constant 0 : i32
      %dma_start3A_310 = arith.constant 0 : i32
      %dma_start3A_311 = tpu.memref_slice %arg7[%dma_start3A_309, %dma_start3A_310] : memref<24x2048xf32, #tpu.memory_space<vmem>> -> memref<24x2048xf32, #tpu.memory_space<vmem>>
      tpu.enqueue_dma source(%dma_start3A_311 : memref<24x2048xf32, #tpu.memory_space<vmem>>) target(%dma_start3A_308 : memref<24x2048xf32, #tpu.memory_space<hbm>>) target_semaphore(%arg11 : memref<!tpu.dma_semaphore, #tpu.memory_space<semaphore_mem>>)
      %mul3A_312 = arith.constant 24 : i32
      %mul3A_313 = arith.muli %add3A_285, %mul3A_312 : i32
      %multiple_of3A_314 = tpu.assume_multiple %mul3A_313, 8 : i32
      %add3A_315 = arith.addi %mul3A_32, %multiple_of3A_314 : i32
      %dma_wait3A_316 = arith.constant 0 : i32
      %dma_wait3A_317 = arith.constant 0 : i32
      %dma_wait3A_318 = tpu.memref_slice %arg7[%dma_wait3A_316, %dma_wait3A_317] : memref<24x2048xf32, #tpu.memory_space<vmem>> -> memref<24x2048xf32, #tpu.memory_space<vmem>>
      %dma_wait3A_319 = arith.constant 0 : i32
      %dma_wait3A_320 = tpu.memref_slice %arg4[%select_n3A, %add3A_315, %dma_wait3A_319] : memref<4x4096x2048xf32, #tpu.memory_space<hbm>> -> memref<1x24x2048xf32, #tpu.memory_space<hbm>>
      %dma_wait3A_321 = tpu.memref_squeeze %dma_wait3A_320 : memref<1x24x2048xf32, #tpu.memory_space<hbm>> -> memref<24x2048xf32, #tpu.memory_space<hbm>>
      %dma_wait3A_322 = arith.constant 0 : i32
      %dma_wait3A_323 = tpu.memref_slice %arg4[%select_n3A, %add3A_315, %dma_wait3A_322] : memref<4x4096x2048xf32, #tpu.memory_space<hbm>> -> memref<1x24x2048xf32, #tpu.memory_space<hbm>>
      %dma_wait3A_324 = tpu.memref_squeeze %dma_wait3A_323 : memref<1x24x2048xf32, #tpu.memory_space<hbm>> -> memref<24x2048xf32, #tpu.memory_space<hbm>>
      %dma_wait3A_325 = arith.constant 0 : i32
      %dma_wait3A_326 = arith.constant 0 : i32
      %dma_wait3A_327 = tpu.memref_slice %arg7[%dma_wait3A_325, %dma_wait3A_326] : memref<24x2048xf32, #tpu.memory_space<vmem>> -> memref<24x2048xf32, #tpu.memory_space<vmem>>
      tpu.wait_dma2 semaphore(%arg11 : memref<!tpu.dma_semaphore, #tpu.memory_space<semaphore_mem>>) src(%dma_wait3A_327 : memref<24x2048xf32, #tpu.memory_space<vmem>>) dst(%dma_wait3A_324 : memref<24x2048xf32, #tpu.memory_space<hbm>>)
      %add3A_328 = arith.constant 3 : i32
      %add3A_329 = arith.addi %mul3A_229, %add3A_328 : i32
      %mul3A_330 = arith.constant 24 : i32
      %mul3A_331 = arith.muli %add3A_329, %mul3A_330 : i32
      %multiple_of3A_332 = tpu.assume_multiple %mul3A_331, 8 : i32
      %dma_start3A_333 = arith.constant 0 : i32
      %dma_start3A_334 = arith.constant 0 : i32
      %dma_start3A_335 = tpu.memref_slice %arg7[%dma_start3A_333, %dma_start3A_334] : memref<24x2048xf32, #tpu.memory_space<vmem>> -> memref<24x2048xf32, #tpu.memory_space<vmem>>
      %dma_start3A_336 = tpu.memref_slice %arg5[%multiple_of3A_332] : memref<512xi32, #tpu.memory_space<vmem>> -> memref<24xi32, #tpu.memory_space<vmem>>
      %dma_start3A_337 = arith.constant 0 : i32
      %dma_start3A_338 = arith.constant 0 : i32
      %dma_start3A_339 = tpu.memref_slice %arg3[%dma_start3A_337, %dma_start3A_338] : memref<100000x2048xf32, #tpu.memory_space<hbm>> -> memref<100000x2048xf32, #tpu.memory_space<hbm>>
      tpu.enqueue_indirect_dma source(%dma_start3A_339 : memref<100000x2048xf32, #tpu.memory_space<hbm>>) target(%dma_start3A_335 : memref<24x2048xf32, #tpu.memory_space<vmem>>) offsets(%dma_start3A_336 : memref<24xi32, #tpu.memory_space<vmem>>) semaphore(%arg9 : memref<!tpu.dma_semaphore, #tpu.memory_space<semaphore_mem>>)
    }
    %scan3A_53 = arith.constant 9 : i32
    %multiple_of3A_54 = arith.constant 432 : i32
    %multiple_of3A_55 = tpu.assume_multiple %multiple_of3A_54, 8 : i32
    %dma_wait3A = arith.constant 0 : i32
    %dma_wait3A_56 = arith.constant 0 : i32
    %dma_wait3A_57 = tpu.memref_slice %arg6[%dma_wait3A, %dma_wait3A_56] : memref<24x2048xf32, #tpu.memory_space<vmem>> -> memref<24x2048xf32, #tpu.memory_space<vmem>>
    %dma_wait3A_58 = tpu.memref_slice %arg5[%multiple_of3A_55] : memref<512xi32, #tpu.memory_space<vmem>> -> memref<24xi32, #tpu.memory_space<vmem>>
    %dma_wait3A_59 = arith.constant 0 : i32
    %dma_wait3A_60 = arith.constant 0 : i32
    %dma_wait3A_61 = tpu.memref_slice %arg3[%dma_wait3A_59, %dma_wait3A_60] : memref<100000x2048xf32, #tpu.memory_space<hbm>> -> memref<100000x2048xf32, #tpu.memory_space<hbm>>
    tpu.wait_indirect_dma semaphore(%arg8 : memref<!tpu.dma_semaphore, #tpu.memory_space<semaphore_mem>>) src(%dma_wait3A_61 : memref<100000x2048xf32, #tpu.memory_space<hbm>>) dst(%dma_wait3A_57 : memref<24x2048xf32, #tpu.memory_space<vmem>>)
    %multiple_of3A_62 = arith.constant 432 : i32
    %multiple_of3A_63 = tpu.assume_multiple %multiple_of3A_62, 8 : i32
    %add3A_64 = arith.addi %mul3A_32, %multiple_of3A_63 : i32
    %dma_start3A_65 = arith.constant 0 : i32
    %dma_start3A_66 = arith.constant 0 : i32
    %dma_start3A_67 = tpu.memref_slice %arg6[%dma_start3A_65, %dma_start3A_66] : memref<24x2048xf32, #tpu.memory_space<vmem>> -> memref<24x2048xf32, #tpu.memory_space<vmem>>
    %dma_start3A_68 = arith.constant 0 : i32
    %dma_start3A_69 = tpu.memref_slice %arg4[%select_n3A, %add3A_64, %dma_start3A_68] : memref<4x4096x2048xf32, #tpu.memory_space<hbm>> -> memref<1x24x2048xf32, #tpu.memory_space<hbm>>
    %dma_start3A_70 = tpu.memref_squeeze %dma_start3A_69 : memref<1x24x2048xf32, #tpu.memory_space<hbm>> -> memref<24x2048xf32, #tpu.memory_space<hbm>>
    %dma_start3A_71 = arith.constant 0 : i32
    %dma_start3A_72 = tpu.memref_slice %arg4[%select_n3A, %add3A_64, %dma_start3A_71] : memref<4x4096x2048xf32, #tpu.memory_space<hbm>> -> memref<1x24x2048xf32, #tpu.memory_space<hbm>>
    %dma_start3A_73 = tpu.memref_squeeze %dma_start3A_72 : memref<1x24x2048xf32, #tpu.memory_space<hbm>> -> memref<24x2048xf32, #tpu.memory_space<hbm>>
    %dma_start3A_74 = arith.constant 0 : i32
    %dma_start3A_75 = arith.constant 0 : i32
    %dma_start3A_76 = tpu.memref_slice %arg6[%dma_start3A_74, %dma_start3A_75] : memref<24x2048xf32, #tpu.memory_space<vmem>> -> memref<24x2048xf32, #tpu.memory_space<vmem>>
    tpu.enqueue_dma source(%dma_start3A_76 : memref<24x2048xf32, #tpu.memory_space<vmem>>) target(%dma_start3A_73 : memref<24x2048xf32, #tpu.memory_space<hbm>>) target_semaphore(%arg10 : memref<!tpu.dma_semaphore, #tpu.memory_space<semaphore_mem>>)
    %multiple_of3A_77 = arith.constant 432 : i32
    %multiple_of3A_78 = tpu.assume_multiple %multiple_of3A_77, 8 : i32
    %add3A_79 = arith.addi %mul3A_32, %multiple_of3A_78 : i32
    %dma_wait3A_80 = arith.constant 0 : i32
    %dma_wait3A_81 = arith.constant 0 : i32
    %dma_wait3A_82 = tpu.memref_slice %arg6[%dma_wait3A_80, %dma_wait3A_81] : memref<24x2048xf32, #tpu.memory_space<vmem>> -> memref<24x2048xf32, #tpu.memory_space<vmem>>
    %dma_wait3A_83 = arith.constant 0 : i32
    %dma_wait3A_84 = tpu.memref_slice %arg4[%select_n3A, %add3A_79, %dma_wait3A_83] : memref<4x4096x2048xf32, #tpu.memory_space<hbm>> -> memref<1x24x2048xf32, #tpu.memory_space<hbm>>
    %dma_wait3A_85 = tpu.memref_squeeze %dma_wait3A_84 : memref<1x24x2048xf32, #tpu.memory_space<hbm>> -> memref<24x2048xf32, #tpu.memory_space<hbm>>
    %dma_wait3A_86 = arith.constant 0 : i32
    %dma_wait3A_87 = tpu.memref_slice %arg4[%select_n3A, %add3A_79, %dma_wait3A_86] : memref<4x4096x2048xf32, #tpu.memory_space<hbm>> -> memref<1x24x2048xf32, #tpu.memory_space<hbm>>
    %dma_wait3A_88 = tpu.memref_squeeze %dma_wait3A_87 : memref<1x24x2048xf32, #tpu.memory_space<hbm>> -> memref<24x2048xf32, #tpu.memory_space<hbm>>
    %dma_wait3A_89 = arith.constant 0 : i32
    %dma_wait3A_90 = arith.constant 0 : i32
    %dma_wait3A_91 = tpu.memref_slice %arg6[%dma_wait3A_89, %dma_wait3A_90] : memref<24x2048xf32, #tpu.memory_space<vmem>> -> memref<24x2048xf32, #tpu.memory_space<vmem>>
    tpu.wait_dma2 semaphore(%arg10 : memref<!tpu.dma_semaphore, #tpu.memory_space<semaphore_mem>>) src(%dma_wait3A_91 : memref<24x2048xf32, #tpu.memory_space<vmem>>) dst(%dma_wait3A_88 : memref<24x2048xf32, #tpu.memory_space<hbm>>)
    %multiple_of3A_92 = arith.constant 480 : i32
    %multiple_of3A_93 = tpu.assume_multiple %multiple_of3A_92, 8 : i32
    %dma_start3A_94 = arith.constant 0 : i32
    %dma_start3A_95 = arith.constant 0 : i32
    %dma_start3A_96 = tpu.memref_slice %arg6[%dma_start3A_94, %dma_start3A_95] : memref<24x2048xf32, #tpu.memory_space<vmem>> -> memref<24x2048xf32, #tpu.memory_space<vmem>>
    %dma_start3A_97 = tpu.memref_slice %arg5[%multiple_of3A_93] : memref<512xi32, #tpu.memory_space<vmem>> -> memref<24xi32, #tpu.memory_space<vmem>>
    %dma_start3A_98 = arith.constant 0 : i32
    %dma_start3A_99 = arith.constant 0 : i32
    %dma_start3A_100 = tpu.memref_slice %arg3[%dma_start3A_98, %dma_start3A_99] : memref<100000x2048xf32, #tpu.memory_space<hbm>> -> memref<100000x2048xf32, #tpu.memory_space<hbm>>
    tpu.enqueue_indirect_dma source(%dma_start3A_100 : memref<100000x2048xf32, #tpu.memory_space<hbm>>) target(%dma_start3A_96 : memref<24x2048xf32, #tpu.memory_space<vmem>>) offsets(%dma_start3A_97 : memref<24xi32, #tpu.memory_space<vmem>>) semaphore(%arg8 : memref<!tpu.dma_semaphore, #tpu.memory_space<semaphore_mem>>)
    %multiple_of3A_101 = arith.constant 456 : i32
    %multiple_of3A_102 = tpu.assume_multiple %multiple_of3A_101, 8 : i32
    %dma_wait3A_103 = arith.constant 0 : i32
    %dma_wait3A_104 = arith.constant 0 : i32
    %dma_wait3A_105 = tpu.memref_slice %arg7[%dma_wait3A_103, %dma_wait3A_104] : memref<24x2048xf32, #tpu.memory_space<vmem>> -> memref<24x2048xf32, #tpu.memory_space<vmem>>
    %dma_wait3A_106 = tpu.memref_slice %arg5[%multiple_of3A_102] : memref<512xi32, #tpu.memory_space<vmem>> -> memref<24xi32, #tpu.memory_space<vmem>>
    %dma_wait3A_107 = arith.constant 0 : i32
    %dma_wait3A_108 = arith.constant 0 : i32
    %dma_wait3A_109 = tpu.memref_slice %arg3[%dma_wait3A_107, %dma_wait3A_108] : memref<100000x2048xf32, #tpu.memory_space<hbm>> -> memref<100000x2048xf32, #tpu.memory_space<hbm>>
    tpu.wait_indirect_dma semaphore(%arg9 : memref<!tpu.dma_semaphore, #tpu.memory_space<semaphore_mem>>) src(%dma_wait3A_109 : memref<100000x2048xf32, #tpu.memory_space<hbm>>) dst(%dma_wait3A_105 : memref<24x2048xf32, #tpu.memory_space<vmem>>)
    %multiple_of3A_110 = arith.constant 456 : i32
    %multiple_of3A_111 = tpu.assume_multiple %multiple_of3A_110, 8 : i32
    %add3A_112 = arith.addi %mul3A_32, %multiple_of3A_111 : i32
    %dma_start3A_113 = arith.constant 0 : i32
    %dma_start3A_114 = arith.constant 0 : i32
    %dma_start3A_115 = tpu.memref_slice %arg7[%dma_start3A_113, %dma_start3A_114] : memref<24x2048xf32, #tpu.memory_space<vmem>> -> memref<24x2048xf32, #tpu.memory_space<vmem>>
    %dma_start3A_116 = arith.constant 0 : i32
    %dma_start3A_117 = tpu.memref_slice %arg4[%select_n3A, %add3A_112, %dma_start3A_116] : memref<4x4096x2048xf32, #tpu.memory_space<hbm>> -> memref<1x24x2048xf32, #tpu.memory_space<hbm>>
    %dma_start3A_118 = tpu.memref_squeeze %dma_start3A_117 : memref<1x24x2048xf32, #tpu.memory_space<hbm>> -> memref<24x2048xf32, #tpu.memory_space<hbm>>
    %dma_start3A_119 = arith.constant 0 : i32
    %dma_start3A_120 = tpu.memref_slice %arg4[%select_n3A, %add3A_112, %dma_start3A_119] : memref<4x4096x2048xf32, #tpu.memory_space<hbm>> -> memref<1x24x2048xf32, #tpu.memory_space<hbm>>
    %dma_start3A_121 = tpu.memref_squeeze %dma_start3A_120 : memref<1x24x2048xf32, #tpu.memory_space<hbm>> -> memref<24x2048xf32, #tpu.memory_space<hbm>>
    %dma_start3A_122 = arith.constant 0 : i32
    %dma_start3A_123 = arith.constant 0 : i32
    %dma_start3A_124 = tpu.memref_slice %arg7[%dma_start3A_122, %dma_start3A_123] : memref<24x2048xf32, #tpu.memory_space<vmem>> -> memref<24x2048xf32, #tpu.memory_space<vmem>>
    tpu.enqueue_dma source(%dma_start3A_124 : memref<24x2048xf32, #tpu.memory_space<vmem>>) target(%dma_start3A_121 : memref<24x2048xf32, #tpu.memory_space<hbm>>) target_semaphore(%arg11 : memref<!tpu.dma_semaphore, #tpu.memory_space<semaphore_mem>>)
    %multiple_of3A_125 = arith.constant 456 : i32
    %multiple_of3A_126 = tpu.assume_multiple %multiple_of3A_125, 8 : i32
    %add3A_127 = arith.addi %mul3A_32, %multiple_of3A_126 : i32
    %dma_wait3A_128 = arith.constant 0 : i32
    %dma_wait3A_129 = arith.constant 0 : i32
    %dma_wait3A_130 = tpu.memref_slice %arg7[%dma_wait3A_128, %dma_wait3A_129] : memref<24x2048xf32, #tpu.memory_space<vmem>> -> memref<24x2048xf32, #tpu.memory_space<vmem>>
    %dma_wait3A_131 = arith.constant 0 : i32
    %dma_wait3A_132 = tpu.memref_slice %arg4[%select_n3A, %add3A_127, %dma_wait3A_131] : memref<4x4096x2048xf32, #tpu.memory_space<hbm>> -> memref<1x24x2048xf32, #tpu.memory_space<hbm>>
    %dma_wait3A_133 = tpu.memref_squeeze %dma_wait3A_132 : memref<1x24x2048xf32, #tpu.memory_space<hbm>> -> memref<24x2048xf32, #tpu.memory_space<hbm>>
    %dma_wait3A_134 = arith.constant 0 : i32
    %dma_wait3A_135 = tpu.memref_slice %arg4[%select_n3A, %add3A_127, %dma_wait3A_134] : memref<4x4096x2048xf32, #tpu.memory_space<hbm>> -> memref<1x24x2048xf32, #tpu.memory_space<hbm>>
    %dma_wait3A_136 = tpu.memref_squeeze %dma_wait3A_135 : memref<1x24x2048xf32, #tpu.memory_space<hbm>> -> memref<24x2048xf32, #tpu.memory_space<hbm>>
    %dma_wait3A_137 = arith.constant 0 : i32
    %dma_wait3A_138 = arith.constant 0 : i32
    %dma_wait3A_139 = tpu.memref_slice %arg7[%dma_wait3A_137, %dma_wait3A_138] : memref<24x2048xf32, #tpu.memory_space<vmem>> -> memref<24x2048xf32, #tpu.memory_space<vmem>>
    tpu.wait_dma2 semaphore(%arg11 : memref<!tpu.dma_semaphore, #tpu.memory_space<semaphore_mem>>) src(%dma_wait3A_139 : memref<24x2048xf32, #tpu.memory_space<vmem>>) dst(%dma_wait3A_136 : memref<24x2048xf32, #tpu.memory_space<hbm>>)
    %multiple_of3A_140 = arith.constant 504 : i32
    %multiple_of3A_141 = tpu.assume_multiple %multiple_of3A_140, 8 : i32
    %dma_start3A_142 = arith.constant 0 : i32
    %dma_start3A_143 = arith.constant 0 : i32
    %dma_start3A_144 = tpu.memref_slice %arg7[%dma_start3A_142, %dma_start3A_143] : memref<24x2048xf32, #tpu.memory_space<vmem>> -> memref<8x2048xf32, #tpu.memory_space<vmem>>
    %dma_start3A_145 = tpu.memref_slice %arg5[%multiple_of3A_141] : memref<512xi32, #tpu.memory_space<vmem>> -> memref<8xi32, #tpu.memory_space<vmem>>
    %dma_start3A_146 = arith.constant 0 : i32
    %dma_start3A_147 = arith.constant 0 : i32
    %dma_start3A_148 = tpu.memref_slice %arg3[%dma_start3A_146, %dma_start3A_147] : memref<100000x2048xf32, #tpu.memory_space<hbm>> -> memref<100000x2048xf32, #tpu.memory_space<hbm>>
    tpu.enqueue_indirect_dma source(%dma_start3A_148 : memref<100000x2048xf32, #tpu.memory_space<hbm>>) target(%dma_start3A_144 : memref<8x2048xf32, #tpu.memory_space<vmem>>) offsets(%dma_start3A_145 : memref<8xi32, #tpu.memory_space<vmem>>) semaphore(%arg9 : memref<!tpu.dma_semaphore, #tpu.memory_space<semaphore_mem>>)
    %multiple_of3A_149 = arith.constant 480 : i32
    %multiple_of3A_150 = tpu.assume_multiple %multiple_of3A_149, 8 : i32
    %dma_wait3A_151 = arith.constant 0 : i32
    %dma_wait3A_152 = arith.constant 0 : i32
    %dma_wait3A_153 = tpu.memref_slice %arg6[%dma_wait3A_151, %dma_wait3A_152] : memref<24x2048xf32, #tpu.memory_space<vmem>> -> memref<24x2048xf32, #tpu.memory_space<vmem>>
    %dma_wait3A_154 = tpu.memref_slice %arg5[%multiple_of3A_150] : memref<512xi32, #tpu.memory_space<vmem>> -> memref<24xi32, #tpu.memory_space<vmem>>
    %dma_wait3A_155 = arith.constant 0 : i32
    %dma_wait3A_156 = arith.constant 0 : i32
    %dma_wait3A_157 = tpu.memref_slice %arg3[%dma_wait3A_155, %dma_wait3A_156] : memref<100000x2048xf32, #tpu.memory_space<hbm>> -> memref<100000x2048xf32, #tpu.memory_space<hbm>>
    tpu.wait_indirect_dma semaphore(%arg8 : memref<!tpu.dma_semaphore, #tpu.memory_space<semaphore_mem>>) src(%dma_wait3A_157 : memref<100000x2048xf32, #tpu.memory_space<hbm>>) dst(%dma_wait3A_153 : memref<24x2048xf32, #tpu.memory_space<vmem>>)
    %multiple_of3A_158 = arith.constant 480 : i32
    %multiple_of3A_159 = tpu.assume_multiple %multiple_of3A_158, 8 : i32
    %add3A_160 = arith.addi %mul3A_32, %multiple_of3A_159 : i32
    %dma_start3A_161 = arith.constant 0 : i32
    %dma_start3A_162 = arith.constant 0 : i32
    %dma_start3A_163 = tpu.memref_slice %arg6[%dma_start3A_161, %dma_start3A_162] : memref<24x2048xf32, #tpu.memory_space<vmem>> -> memref<24x2048xf32, #tpu.memory_space<vmem>>
    %dma_start3A_164 = arith.constant 0 : i32
    %dma_start3A_165 = tpu.memref_slice %arg4[%select_n3A, %add3A_160, %dma_start3A_164] : memref<4x4096x2048xf32, #tpu.memory_space<hbm>> -> memref<1x24x2048xf32, #tpu.memory_space<hbm>>
    %dma_start3A_166 = tpu.memref_squeeze %dma_start3A_165 : memref<1x24x2048xf32, #tpu.memory_space<hbm>> -> memref<24x2048xf32, #tpu.memory_space<hbm>>
    %dma_start3A_167 = arith.constant 0 : i32
    %dma_start3A_168 = tpu.memref_slice %arg4[%select_n3A, %add3A_160, %dma_start3A_167] : memref<4x4096x2048xf32, #tpu.memory_space<hbm>> -> memref<1x24x2048xf32, #tpu.memory_space<hbm>>
    %dma_start3A_169 = tpu.memref_squeeze %dma_start3A_168 : memref<1x24x2048xf32, #tpu.memory_space<hbm>> -> memref<24x2048xf32, #tpu.memory_space<hbm>>
    %dma_start3A_170 = arith.constant 0 : i32
    %dma_start3A_171 = arith.constant 0 : i32
    %dma_start3A_172 = tpu.memref_slice %arg6[%dma_start3A_170, %dma_start3A_171] : memref<24x2048xf32, #tpu.memory_space<vmem>> -> memref<24x2048xf32, #tpu.memory_space<vmem>>
    tpu.enqueue_dma source(%dma_start3A_172 : memref<24x2048xf32, #tpu.memory_space<vmem>>) target(%dma_start3A_169 : memref<24x2048xf32, #tpu.memory_space<hbm>>) target_semaphore(%arg10 : memref<!tpu.dma_semaphore, #tpu.memory_space<semaphore_mem>>)
    %multiple_of3A_173 = arith.constant 480 : i32
    %multiple_of3A_174 = tpu.assume_multiple %multiple_of3A_173, 8 : i32
    %add3A_175 = arith.addi %mul3A_32, %multiple_of3A_174 : i32
    %dma_wait3A_176 = arith.constant 0 : i32
    %dma_wait3A_177 = arith.constant 0 : i32
    %dma_wait3A_178 = tpu.memref_slice %arg6[%dma_wait3A_176, %dma_wait3A_177] : memref<24x2048xf32, #tpu.memory_space<vmem>> -> memref<24x2048xf32, #tpu.memory_space<vmem>>
    %dma_wait3A_179 = arith.constant 0 : i32
    %dma_wait3A_180 = tpu.memref_slice %arg4[%select_n3A, %add3A_175, %dma_wait3A_179] : memref<4x4096x2048xf32, #tpu.memory_space<hbm>> -> memref<1x24x2048xf32, #tpu.memory_space<hbm>>
    %dma_wait3A_181 = tpu.memref_squeeze %dma_wait3A_180 : memref<1x24x2048xf32, #tpu.memory_space<hbm>> -> memref<24x2048xf32, #tpu.memory_space<hbm>>
    %dma_wait3A_182 = arith.constant 0 : i32
    %dma_wait3A_183 = tpu.memref_slice %arg4[%select_n3A, %add3A_175, %dma_wait3A_182] : memref<4x4096x2048xf32, #tpu.memory_space<hbm>> -> memref<1x24x2048xf32, #tpu.memory_space<hbm>>
    %dma_wait3A_184 = tpu.memref_squeeze %dma_wait3A_183 : memref<1x24x2048xf32, #tpu.memory_space<hbm>> -> memref<24x2048xf32, #tpu.memory_space<hbm>>
    %dma_wait3A_185 = arith.constant 0 : i32
    %dma_wait3A_186 = arith.constant 0 : i32
    %dma_wait3A_187 = tpu.memref_slice %arg6[%dma_wait3A_185, %dma_wait3A_186] : memref<24x2048xf32, #tpu.memory_space<vmem>> -> memref<24x2048xf32, #tpu.memory_space<vmem>>
    tpu.wait_dma2 semaphore(%arg10 : memref<!tpu.dma_semaphore, #tpu.memory_space<semaphore_mem>>) src(%dma_wait3A_187 : memref<24x2048xf32, #tpu.memory_space<vmem>>) dst(%dma_wait3A_184 : memref<24x2048xf32, #tpu.memory_space<hbm>>)
    %multiple_of3A_188 = arith.constant 504 : i32
    %multiple_of3A_189 = tpu.assume_multiple %multiple_of3A_188, 8 : i32
    %dma_wait3A_190 = arith.constant 0 : i32
    %dma_wait3A_191 = arith.constant 0 : i32
    %dma_wait3A_192 = tpu.memref_slice %arg7[%dma_wait3A_190, %dma_wait3A_191] : memref<24x2048xf32, #tpu.memory_space<vmem>> -> memref<8x2048xf32, #tpu.memory_space<vmem>>
    %dma_wait3A_193 = tpu.memref_slice %arg5[%multiple_of3A_189] : memref<512xi32, #tpu.memory_space<vmem>> -> memref<8xi32, #tpu.memory_space<vmem>>
    %dma_wait3A_194 = arith.constant 0 : i32
    %dma_wait3A_195 = arith.constant 0 : i32
    %dma_wait3A_196 = tpu.memref_slice %arg3[%dma_wait3A_194, %dma_wait3A_195] : memref<100000x2048xf32, #tpu.memory_space<hbm>> -> memref<100000x2048xf32, #tpu.memory_space<hbm>>
    tpu.wait_indirect_dma semaphore(%arg9 : memref<!tpu.dma_semaphore, #tpu.memory_space<semaphore_mem>>) src(%dma_wait3A_196 : memref<100000x2048xf32, #tpu.memory_space<hbm>>) dst(%dma_wait3A_192 : memref<8x2048xf32, #tpu.memory_space<vmem>>)
    %multiple_of3A_197 = arith.constant 504 : i32
    %multiple_of3A_198 = tpu.assume_multiple %multiple_of3A_197, 8 : i32
    %add3A_199 = arith.addi %mul3A_32, %multiple_of3A_198 : i32
    %dma_start3A_200 = arith.constant 0 : i32
    %dma_start3A_201 = arith.constant 0 : i32
    %dma_start3A_202 = tpu.memref_slice %arg7[%dma_start3A_200, %dma_start3A_201] : memref<24x2048xf32, #tpu.memory_space<vmem>> -> memref<8x2048xf32, #tpu.memory_space<vmem>>
    %dma_start3A_203 = arith.constant 0 : i32
    %dma_start3A_204 = tpu.memref_slice %arg4[%select_n3A, %add3A_199, %dma_start3A_203] : memref<4x4096x2048xf32, #tpu.memory_space<hbm>> -> memref<1x8x2048xf32, #tpu.memory_space<hbm>>
    %dma_start3A_205 = tpu.memref_squeeze %dma_start3A_204 : memref<1x8x2048xf32, #tpu.memory_space<hbm>> -> memref<8x2048xf32, #tpu.memory_space<hbm>>
    %dma_start3A_206 = arith.constant 0 : i32
    %dma_start3A_207 = tpu.memref_slice %arg4[%select_n3A, %add3A_199, %dma_start3A_206] : memref<4x4096x2048xf32, #tpu.memory_space<hbm>> -> memref<1x8x2048xf32, #tpu.memory_space<hbm>>
    %dma_start3A_208 = tpu.memref_squeeze %dma_start3A_207 : memref<1x8x2048xf32, #tpu.memory_space<hbm>> -> memref<8x2048xf32, #tpu.memory_space<hbm>>
    %dma_start3A_209 = arith.constant 0 : i32
    %dma_start3A_210 = arith.constant 0 : i32
    %dma_start3A_211 = tpu.memref_slice %arg7[%dma_start3A_209, %dma_start3A_210] : memref<24x2048xf32, #tpu.memory_space<vmem>> -> memref<8x2048xf32, #tpu.memory_space<vmem>>
    tpu.enqueue_dma source(%dma_start3A_211 : memref<8x2048xf32, #tpu.memory_space<vmem>>) target(%dma_start3A_208 : memref<8x2048xf32, #tpu.memory_space<hbm>>) target_semaphore(%arg11 : memref<!tpu.dma_semaphore, #tpu.memory_space<semaphore_mem>>)
    %multiple_of3A_212 = arith.constant 504 : i32
    %multiple_of3A_213 = tpu.assume_multiple %multiple_of3A_212, 8 : i32
    %add3A_214 = arith.addi %mul3A_32, %multiple_of3A_213 : i32
    %dma_wait3A_215 = arith.constant 0 : i32
    %dma_wait3A_216 = arith.constant 0 : i32
    %dma_wait3A_217 = tpu.memref_slice %arg7[%dma_wait3A_215, %dma_wait3A_216] : memref<24x2048xf32, #tpu.memory_space<vmem>> -> memref<8x2048xf32, #tpu.memory_space<vmem>>
    %dma_wait3A_218 = arith.constant 0 : i32
    %dma_wait3A_219 = tpu.memref_slice %arg4[%select_n3A, %add3A_214, %dma_wait3A_218] : memref<4x4096x2048xf32, #tpu.memory_space<hbm>> -> memref<1x8x2048xf32, #tpu.memory_space<hbm>>
    %dma_wait3A_220 = tpu.memref_squeeze %dma_wait3A_219 : memref<1x8x2048xf32, #tpu.memory_space<hbm>> -> memref<8x2048xf32, #tpu.memory_space<hbm>>
    %dma_wait3A_221 = arith.constant 0 : i32
    %dma_wait3A_222 = tpu.memref_slice %arg4[%select_n3A, %add3A_214, %dma_wait3A_221] : memref<4x4096x2048xf32, #tpu.memory_space<hbm>> -> memref<1x8x2048xf32, #tpu.memory_space<hbm>>
    %dma_wait3A_223 = tpu.memref_squeeze %dma_wait3A_222 : memref<1x8x2048xf32, #tpu.memory_space<hbm>> -> memref<8x2048xf32, #tpu.memory_space<hbm>>
    %dma_wait3A_224 = arith.constant 0 : i32
    %dma_wait3A_225 = arith.constant 0 : i32
    %dma_wait3A_226 = tpu.memref_slice %arg7[%dma_wait3A_224, %dma_wait3A_225] : memref<24x2048xf32, #tpu.memory_space<vmem>> -> memref<8x2048xf32, #tpu.memory_space<vmem>>
    tpu.wait_dma2 semaphore(%arg11 : memref<!tpu.dma_semaphore, #tpu.memory_space<semaphore_mem>>) src(%dma_wait3A_226 : memref<8x2048xf32, #tpu.memory_space<vmem>>) dst(%dma_wait3A_223 : memref<8x2048xf32, #tpu.memory_space<hbm>>)
    return
  }
}

</mosaic_0001>

<sc_bundles>
// kernel: kernel.3.cloned.1.call-start
scs
__scs_entry_jumppad:
0x0: {  	(pc) =	sbr.rel $0x88, $3  }
0x1: {  	(tag) =	ssettag $0x0;
	lr =	simm.s32 $0x1  }
0x2: {  	[smem:$0x3F9F] =	sst lr;
	_ =	strace $0xD0000000  }
0x3: {  	_ = 	snop  }
0x4: {  	_ = 	snop  }
0x5: {  	_ = 	snop  }
0x6: {  	_ = 	snop  }
0x7: {  	_ = 	snop  }
__scs_overlays_trampoline_lowered:
0x8: {  	[smem:$0x3FAE] =	sst s0  }
0x9: {  	[smem:$0x3FAF] =	sst s1  }
0xa: {  	[smem:$0x3FB0] =	sst s2  }
0xb: {  	[smem:$0x3FB1] =	sst s3  }
0xc: {  	[smem:$0x3FB2] =	sst s4  }
0xd: {  	[smem:$0x3FB3] =	sst s5  }
0xe: {  	[smem:$0x3FB4] =	sst s6  }
0xf: {  	[smem:$0x3FB5] =	sst s7  }
0x10: {  	[smem:$0x3FB6] =	sst s8  }
0x11: {  	[smem:$0x3FB7] =	sst s9;
	s0 =	simm.s32 @!p0 $0x0  }
0x12: {  	s1 =	sld [smem:$0x3F9D];
	s0 =	simm.s32 @p0 $0x1  }
0x13: {  	[smem:$0x3FB8] =	sst s0;
	s0 =	simm.s32 @!p1 $0x0  }
0x14: {  	s2 =	sld [smem:$0x3F9C];
	s0 =	simm.s32 @p1 $0x1  }
0x15: {  	[smem:$0x3FB9] =	sst s0;
	s0 =	simm.s32 @!p2 $0x0  }
0x16: {  	s3 =	sld [smem:$0x3FDB];
	s0 =	simm.s32 @p2 $0x1  }
0x17: {  	s4 =	simm.s32 $0x1BF5;
	[smem:$0x3FBB] =	sst s0  }
0x18: {  	s0 =	sld [smem:$0x3F9E];
	_ =	swait.ge [sflag:s4], $0x0  }
0x19: {  	s7 =	sld [smem:$0x3F9F]  }
0x1a: {  	s8 =	sadd.s32 $0xFFFFE003, lr  }
0x1b: {  	s9 =	sadd.s32 $0xFFFFFEF7, lr;
	s5 =	simm.s32 $0xFFFFFFFF;
	p2 =	slt.u32 s8, $0xFFFFF086  }
0x1c: {  	p1 =	slt.u32 s9, $0xF7A;
	s5 =	simm.s32 @!p2 $0x0  }
0x1d: {  	s5 =	simm.s32 @p1 $0x1;
	p0 =	seq.s32 s7, s2  }
0x1e: {  	s7 =	smul.u32 @!p0 $0xF7A, s2;
	p2 =	seq.s32 @!p0 s5, $0x0  }
0x1f: {  	s9 =	smul.u32 $0xF7A, s1;
	s8 =	simm.s32 @!p0 $0x1BF5;
	p2 =	por !p2, p0  }
0x20: {  	[sflag:s8] =	ssyncset.s32 @!p0 $0xFFFFF086;
	s6 =	sadd.s32 @!p0 s3, s7;
	s7 =	simm.s32 @!p0 $0x108  }
0x21: {  	s3 =	sadd.s32 s3, s9;
	s6 =	sadd.s32 @!p0 $0x88, s6;
	s7 =	simm.s32 @p2 $0x1082  }
0x22: {  	[simem:s7], [sflag:s8] =	dma.local @!p0 [hbm:s6], $0xF7A  }
0x23: {  	s9 =	sor.u32 $0xD0000000, s2;
	s6 =	simm.s32 $0x108;
	_ =	swait.ge @!p0 [sflag:s8], $0x0  }
0x24: {  	s3 =	sadd.s32 $0x88, s3;
	s6 =	simm.s32 @!p1 $0x1082;
	[sflag:s4] =	ssyncset.s32 $0xFFFFF086  }
0x25: {  	[simem:s6], [sflag:s4] =	dma.local [hbm:s3], $0xF7A  }
0x26: {  	[smem:$0x3F9F] =	sst s1;
	(tag) =	ssettag s2;
	_ =	strace s9  }
0x27: {  	s1 =	sld [smem:$0x3FAF]  }
0x28: {  	s2 =	sld [smem:$0x3FB0]  }
0x29: {  	s4 =	sld [smem:$0x3FB2]  }
0x2a: {  	p0 =	seq.s32 s5, $0x0;
	s5 =	sld [smem:$0x3FB3]  }
0x2b: {  	s6 =	sld [smem:$0x3FB4]  }
0x2c: {  	s7 =	sld [smem:$0x3FB5]  }
0x2d: {  	s3 =	simm.s32 $0x108;
	s8 =	sld [smem:$0x3FB6]  }
0x2e: {  	s3 =	simm.s32 @!p0 $0x1082;
	s9 =	sld [smem:$0x3FB7]  }
0x2f: {  	lr =	sadd.s32 s0, s3;
	s0 =	sld [smem:$0x3FAE]  }
0x30: {  	s3 =	sld [smem:$0x3FB1]  }
0x31: {  	[smem:$0x3FBA] =	sst s10  }
0x32: {  	s10 =	sld [smem:$0x3FB8];
	_ =	sdelay $0x3  }
0x33: {  	p0 =	seq.s32 s10, $0x1;
	s10 =	sld [smem:$0x3FBA];
	_ =	sdelay $0x3  }
0x34: {  	[smem:$0x3FBA] =	sst s10  }
0x35: {  	s10 =	sld [smem:$0x3FB9];
	_ =	sdelay $0x3  }
0x36: {  	p1 =	seq.s32 s10, $0x1;
	s10 =	sld [smem:$0x3FBA];
	_ =	sdelay $0x3  }
0x37: {  	[smem:$0x3FBA] =	sst s10  }
0x38: {  	s10 =	sld [smem:$0x3FBB]  }
0x39: {  	_ = 	snop;
	(pc) =	sbr.ind lr, $3  }
0x3a: {  	_ = 	snop  }
0x3b: {  	_ = 	snop  }
0x3c: {  	p2 =	seq.s32 s10, $0x1;
	s10 =	sld [smem:$0x3FBA]  }
0x3d: {  	_ =	shalt  }
0x3e: {  	_ =	shalt  }
0x3f: {  	_ =	shalt  }
0x40: {  	_ =	shalt  }
0x41: {  	_ =	shalt  }
0x42: {  	_ =	shalt  }
0x43: {  	_ =	shalt  }
0x44: {  	_ =	shalt  }
0x45: {  	_ =	shalt  }
0x46: {  	_ =	shalt  }
0x47: {  	_ =	shalt  }
0x48: {  	_ =	shalt  }
0x49: {  	_ =	shalt  }
0x4a: {  	_ =	shalt  }
0x4b: {  	_ =	shalt  }
0x4c: {  	_ =	shalt  }
0x4d: {  	_ =	shalt  }
0x4e: {  	_ =	shalt  }
0x4f: {  	_ =	shalt  }
0x50: {  	_ =	shalt  }
0x51: {  	_ =	shalt  }
0x52: {  	_ =	shalt  }
0x53: {  	_ =	shalt  }
0x54: {  	_ =	shalt  }
0x55: {  	_ =	shalt  }
0x56: {  	_ =	shalt  }
0x57: {  	_ =	shalt  }
0x58: {  	_ =	shalt  }
0x59: {  	_ =	shalt  }
0x5a: {  	_ =	shalt  }
0x5b: {  	_ =	shalt  }
0x5c: {  	_ =	shalt  }
0x5d: {  	_ =	shalt  }
0x5e: {  	_ =	shalt  }
0x5f: {  	_ =	shalt  }
0x60: {  	_ =	shalt  }
0x61: {  	_ =	shalt  }
0x62: {  	_ =	shalt  }
0x63: {  	_ =	shalt  }
0x64: {  	_ =	shalt  }
0x65: {  	_ =	shalt  }
0x66: {  	_ =	shalt  }
0x67: {  	_ =	shalt  }
0x68: {  	_ =	shalt  }
0x69: {  	_ =	shalt  }
0x6a: {  	_ =	shalt  }
0x6b: {  	_ =	shalt  }
0x6c: {  	_ =	shalt  }
0x6d: {  	_ =	shalt  }
0x6e: {  	_ =	shalt  }
0x6f: {  	_ =	shalt  }
0x70: {  	_ =	shalt  }
0x71: {  	_ =	shalt  }
0x72: {  	_ =	shalt  }
0x73: {  	_ =	shalt  }
0x74: {  	_ =	shalt  }
0x75: {  	_ =	shalt  }
0x76: {  	_ =	shalt  }
0x77: {  	_ =	shalt  }
0x78: {  	_ =	shalt  }
0x79: {  	_ =	shalt  }
0x7a: {  	_ =	shalt  }
0x7b: {  	_ =	shalt  }
0x7c: {  	_ =	shalt  }
0x7d: {  	_ =	shalt  }
0x7e: {  	_ =	shalt  }
0x7f: {  	_ =	shalt  }
0x80: {  	_ =	shalt  }
0x81: {  	_ =	shalt  }
0x82: {  	_ =	shalt  }
0x83: {  	_ =	shalt  }
0x84: {  	_ =	shalt  }
0x85: {  	_ =	shalt  }
0x86: {  	_ =	shalt  }
0x87: {  	_ =	shalt  }
.Lfunc_end0:
.L_simem_size_0:
called_computation_lowered:
.L_overlay_start_0:
0x88: {  	s2 =	sld [smem:$0x3FD9]  }
0x89: {  	s3 =	sld [smem:$0x3FFE];
	_ =	sdelay $0x1  }
0x8a: {  	s1 =	srdreg.scid  }
0x8b: {  	s0 =	sand.u32 $0x1, s1  }
0x8c: {  	s18 =	sshll.u32 s0, $0xA;
	s2 =	sadd.s32 s3, s2  }
0x8d: {  	s2 =	sadd.s32 s2, s18  }
0x8e: {  	[smem:$0x3FC6] =	sst s2  }
0x8f: {  	_ = 	snop  }
0x90: {  	s2 =	sld [smem:$0x3FC9]  }
0x91: {  	s19 =	sld [smem:$0x3FC8]  }
0x92: {  	s4 =	sld [smem:$0x3FD0];
	(tm) =	ssettm $0x1  }
0x93: {  	s5 =	sld [smem:$0x3FFB];
	_ =	sdelay $0x3  }
0x94: {  	_ =	strace s5  }
0x95: {  	s5 =	sld [smem:$0x3FFC];
	_ =	sdelay $0x3  }
0x96: {  	_ =	strace s5  }
0x97: {  	s5 =	sld [smem:$0x3FFD];
	_ =	sdelay $0x3  }
0x98: {  	_ =	strace s5  }
0x99: {  	_ =	strace $0x8FFFFFFF  }
0x9a: {  	s20 =	sld [smem:$0x3FDB];
	_ =	sdelay $0x1  }
0x9b: {  	s6 =	simm.s32 $_scs_section_size  }
0x9c: {  	s7 =	simm.s32 $_size__tile_overlayer_lowered;
	s8 =	simm.s32 $_tile_overlayer_lowered  }
0x9d: {  	s23 =	simm.s32 $0x1BFF;
	s22 =	sshll.u32 s8, $0x1;
	s5 =	sadd.s32 s6, s20  }
0x9e: {  	s9 =	simm.s32 $0x0;
	s21 =	sshll.u32 s7, $0x1;
	s7 =	sadd.s32 s22, s5  }
0x9f: {  	[timem:s9], [sflag:s23] =	dma.local [hbm:s7], s21  }
0xa0: {  	_ =	swait.ge [sflag:s23], s21  }
0xa1: {  	s6 =	ssub.s32 $0x0, s21;
	[sflag:s23] =	ssyncset.done $0x0  }
0xa2: {  	[sflag:s23] =	ssyncadd.s32 s6;
	_ =	sdelay $0x1  }
0xa3: {  	s24 =	simm.s32 $0x1B8B  }
0xa4: {  	_ =	swait.ge [sflag:s24], $0x1  }
0xa5: {  	[sflag:s24] =	ssyncset.done $0x0  }
0xa6: {  	s25 =	simm.s32 $0x1B8E;
	[sflag:s24] =	ssyncadd.s32 $0xFFFFFFFF  }
0xa7: {  	s26 =	simm.s32 $execute0_lowered;
	[smem:$0x3FD2] =	sst s25  }
0xa8: {  	s6 =	sshll.u32 s26, $0x1;
	_ =	strace $0x80000046;
	[dreg:$0x1] =	wrdreg $0xFFFFFFFF  }
0xa9: {  	s28 =	simm.s32 $_size_execute0_lowered;
	s5 =	sadd.s32 s5, s6;
	[dreg:$0x0] =	wrdreg $0x0  }
0xaa: {  	s6 =	sshll.u32 s28, $0x1;
	[dreg:$0x2] =	wrdreg s5  }
0xab: {  	[dreg:$0x3] =	wrdreg s6  }
0xac: {  	[dreg:$0x4] =	wrdreg $0xC0  }
0xad: {  	_ =	task [dreg:s9], $0x5FFFF  }
0xae: {  	[dreg:$0x1] =	wrdreg $0xFFFFFFFF  }
0xaf: {  	[dreg:$0x0] =	wrdreg $0x60  }
0xb0: {  	[dreg:$0x2] =	wrdreg s2  }
0xb1: {  	[dreg:$0x3] =	wrdreg s19  }
0xb2: {  	[dreg:$0x4] =	wrdreg s4  }
0xb3: {  	[dreg:$0x5] =	wrdreg $0x9  }
0xb4: {  	_ =	task.clear_ibuf [dreg:s9], $0x6FFFF;
	_ =	strace $0x90000046  }
0xb5: {  	s29 =	simm.s32 $0x9;
	_ =	strace $0x80000048  }
0xb6: {  	_ =	swait.ge [sflag:s29], $0x1  }
0xb7: {  	[sflag:s29] =	ssyncadd.s32 $0xFFFFFFFF  }
0xb8: {  	_ =	strace $0x90000048  }
0xb9: {  	_ =	sfence  }
0xba: {  	s30 =	sld [smem:$0x0];
	_ =	sdelay $0x2  }
0xbb: {  	s31 =	sshll.u32 s1, $0xD;
	s1 =	sshrl.u32 s1, $0x2  }
0xbc: {  	s3 =	sand.u32 $0x4000, s31;
	s1 =	sadd.s32 s1, s30  }
0xbd: {  	s0 =	sor.u32 s3, s0;
	s1 =	sshll.u32 s1, $0x11  }
0xbe: {  	s0 =	sor.u32 s1, s0  }
0xbf: {  	s0 =	sadd.s32 $0x8F2B, s0  }
0xc0: {  	[sflag:s0] =	ssyncadd.remote.s32 $0x1  }
0xc1: {  	_ =	sfence.sel $0xFFFF  }
0xc2: {  	[dreg:$0x0] =	wrdreg $0xFFFFFFFF;
	(pc) =	sbr.abs _section_cstart, $3  }
0xc3: {  	[dreg:$0x1] =	wrdreg $0xFFFFFFFF  }
0xc4: {  	_ =	task.clear_ibuf [dreg:s9], $0x2FFFF;
	_ =	strace $0x9FFFFFFF  }
0xc5: {  	(tm) =	ssettm $0x7FFFFFFF  }
tec
execute0_lowered:
.L_overlay_start_1:
0x0: {  	(tag) =	ssettag $0x1  }
0x1: {  	s0 =	rddreg [dreg:$0x0]  }
0x2: {  	s2 =	rddreg [dreg:$0x1]  }
0x3: {  	s1 =	rddreg [dreg:$0x2];
	s3 =	simm.s32 $0x0;
	s13 =	stileid.u32  }
0x4: {  	s4 =	srdreg.scid;
	s15 =	simm.s32 $0x12A00;
	s16 =	simm.s32 $0x13A00  }
0x5: {  	s17 =	simm.s32 $0x3;
	s28 =	simm.s32 $0x11200;
	s29 =	simm.s32 $0x12200  }
0x6: {  	s30 =	simm.s32 $0x13200;
	s31 =	simm.s32 $0x14A00;
	s18 =	simm.s32 $0x17200  }
0x7: {  	[smem:$0x7FF] =	sst s3;
	s5 =	sshll.u32 s13, $0x1;
	s4 =	sand.u32 $0x1, s4  }
0x8: {  	s9 =	sshrl.u32 s13, $0x2;
	s13 =	sand.u32 $0x3, s13;
	s5 =	sand.u32 $0x6, s5  }
0x9: {  	s6 =	ssub.s32 $0x2, s4;
	s19 =	sshll.u32 s9, $0x4;
	_ =	strace $0x80000047  }
0xa: {  	s20 =	sshll.u32 s9, $0x17;
	s9 =	sadd.s32 $0x500, s2;
	s13 =	sshll.u32 s13, $0x15  }
0xb: {  	s10 =	sor.u32 s4, s5;
	s7 =	sshrl.u32 s6, $0x1;
	s0 =	sadd.s32 s0, s19  }
0xc: {  	s5 =	sadd.s32 $0x100, s2;
	s4 =	sshll.u32 s4, $0x14;
	s19 =	simm.s32 $0x14200  }
0xd: {  	s8 =	sshll.u32 s10, $0x8;
	s12 =	ssub.s32 s6, s7;
	s6 =	sadd.s32 $0x200, s2  }
0xe: {  	s7 =	sadd.s32 $0x300, s2;
	s10 =	sshll.u32 s10, $0x14;
	s0 =	sadd.s32 s8, s0  }
0xf: {  	s8 =	sadd.s32 $0x400, s2;
	s11 =	sor.u32 s20, s10;
	s10 =	sadd.s32 $0x600, s2  }
0x10: {  	s26 =	smax.u32 s12, $0x1;
	[dreg:$0x6] =	wrdreg s0;
	s11 =	sshrl.u32 s11, $0x3  }
0x11: {  	s0 =	sor.u32 s13, s20;
	[dreg:$0xb] =	wrdreg s26;
	s26 =	simm.s32 $0x10200  }
0x12: {  	s20 =	simm.s32 $0x15200;
	s14 =	sadd.s32 s11, s1;
	s11 =	sadd.s32 $0x700, s2  }
0x13: {  	s0 =	sor.u32 s4, s0;
	s21 =	sadd.s32 $0x1B000, s14;
	s22 =	sadd.s32 $0x1C800, s14  }
0x14: {  	s23 =	sshrl.u32 s0, $0x3;
	s0 =	sor.u32 $0xC000, s0;
	[dreg:$0x7] =	wrdreg s21  }
0x15: {  	s24 =	sadd.s32 $0x1E000, s14;
	s25 =	sadd.s32 $0x1F800, s14;
	[dreg:$0x8] =	wrdreg s22  }
0x16: {  	s14 =	simm.s32 $0x11A00;
	[dreg:$0x9] =	wrdreg s24;
	s4 =	sadd.s32 s23, s1  }
0x17: {  	s0 =	sshrl.u32 s0, $0x3;
	[dreg:$0xa] =	wrdreg s25;
	s23 =	simm.s32 $0x1  }
0x18: {  	v2 =	vlaneseq.u32;
	s24 =	simm.s32 $0x2;
	s21 =	simm.s32 $0x15A00;
	s22 =	simm.s32 $0x17A00  }
0x19: {  	vm0 =	vmmov $0xffff;
	v1 =	vshrl.u32 v2, $0x3;
	[dreg:$0x4] =	wrdreg s4;
	s0 =	sadd.s32 s0, s1;
	s1 =	simm.s32 $0xC200  }
0x1a: {  	v0 =	vand.u32 $0x7, v2;
	v2 =	vor.u32 $0x8, v2;
	v1 =	vmul.u32 $0x8, v1;
	s4 =	simm.s32 $0x4;
	[dreg:$0x5] =	wrdreg s0;
	s0 =	simm.s32 $0x0  }
.LBB2_1:
0x1b: {  	[dreg:$0xc] =	wrdreg s0  }
0x1c: {  	s12 =	rddreg [dreg:$0x6]  }
0x1d: {  	s25 =	simm.s32 $0x80;
	s0 =	simm.s32 $0x200;
	s13 =	simm.s32 $0x5  }
0x1e: {  	[tilespmem:s3], [sflag:$0x5] =	stream.strided.gather [hbm4b:s12+s25], $0x200, s0, s25, $0x38;
	[tilespmem:$0x18200] =	vst v63  }
0x1f: {  	_ =	swait.ge [sflag:s13], $0x200  }
0x20: {  	[sflag:s13] =	ssyncset.done $0x0  }
0x21: {  	[sflag:s13] =	ssyncadd.s32 $0xFFFFFE00  }
0x22: {  	v3 =	vld [tilespmem:$0x0];
	_ =	sdelay $0x4  }
0x23: {  	v4 =	vshll.u32 v3, $0x4  }
0x24: {  	v3 =	vand.u32 $0x7, v3;
	v4 =	vand.u32 $0xFFFFFF80, v4  }
0x25: {  	v3 =	vor.u32 v3, v4  }
0x26: {  	v4 =	vperm.xlane v3, v0;
	_ =	sdelay $0x1  }
0x27: {  	v4 =	vadd.s32 v1, v4;
	_ =	sdelay $0x4  }
0x28: {  	[tilespmem:s0], [sflag:$0x1] =	stream.indirect_vreg.gather [hbm4b:s2+s3], $0x80, v4, vm0, $0xb8;
	[tilespmem:$0x18200] =	vst v63  }
0x29: {  	s25 =	simm.s32 $0xA00  }
0x2a: {  	[tilespmem:s25], [sflag:$0x1] =	stream.indirect_vreg.gather [hbm4b:s5+s3], $0x80, v4, vm0, $0xb8;
	[tilespmem:$0x18200] =	vst v63  }
0x2b: {  	s0 =	simm.s32 $0x1200  }
0x2c: {  	[tilespmem:s0], [sflag:$0x1] =	stream.indirect_vreg.gather [hbm4b:s6+s3], $0x80, v4, vm0, $0xb8;
	[tilespmem:$0x18200] =	vst v63  }
0x2d: {  	s13 =	simm.s32 $0x1A00  }
0x2e: {  	[tilespmem:s13], [sflag:$0x1] =	stream.indirect_vreg.gather [hbm4b:s7+s3], $0x80, v4, vm0, $0xb8;
	[tilespmem:$0x18200] =	vst v63  }
0x2f: {  	s25 =	simm.s32 $0x2200  }
0x30: {  	[tilespmem:s25], [sflag:$0x1] =	stream.indirect_vreg.gather [hbm4b:s8+s3], $0x80, v4, vm0, $0xb8;
	[tilespmem:$0x18200] =	vst v63  }
0x31: {  	v3 =	vperm.xlane v3, v2;
	s0 =	simm.s32 $0x2A00  }
0x32: {  	[tilespmem:s0], [sflag:$0x1] =	stream.indirect_vreg.gather [hbm4b:s9+s3], $0x80, v4, vm0, $0xb8;
	[tilespmem:$0x18200] =	vst v63  }
0x33: {  	v3 =	vadd.s32 v1, v3;
	s13 =	simm.s32 $0x3200  }
0x34: {  	[tilespmem:s13], [sflag:$0x1] =	stream.indirect_vreg.gather [hbm4b:s10+s3], $0x80, v4, vm0, $0xb8;
	[tilespmem:$0x18200] =	vst v63  }
0x35: {  	s25 =	simm.s32 $0x3A00  }
0x36: {  	[tilespmem:s25], [sflag:$0x1] =	stream.indirect_vreg.gather [hbm4b:s11+s3], $0x80, v4, vm0, $0xb8;
	[tilespmem:$0x18200] =	vst v63  }
0x37: {  	s0 =	simm.s32 $0x4200  }
0x38: {  	[tilespmem:s0], [sflag:$0x1] =	stream.indirect_vreg.gather [hbm4b:s2+s3], $0x80, v3, vm0, $0xb8;
	[tilespmem:$0x18200] =	vst v63  }
0x39: {  	s13 =	simm.s32 $0x4A00  }
0x3a: {  	[tilespmem:s13], [sflag:$0x1] =	stream.indirect_vreg.gather [hbm4b:s5+s3], $0x80, v3, vm0, $0xb8;
	[tilespmem:$0x18200] =	vst v63  }
0x3b: {  	s25 =	simm.s32 $0x5200  }
0x3c: {  	[tilespmem:s25], [sflag:$0x1] =	stream.indirect_vreg.gather [hbm4b:s6+s3], $0x80, v3, vm0, $0xb8;
	[tilespmem:$0x18200] =	vst v63  }
0x3d: {  	s0 =	simm.s32 $0x5A00  }
0x3e: {  	[tilespmem:s0], [sflag:$0x1] =	stream.indirect_vreg.gather [hbm4b:s7+s3], $0x80, v3, vm0, $0xb8;
	[tilespmem:$0x18200] =	vst v63  }
0x3f: {  	s13 =	simm.s32 $0x6200  }
0x40: {  	[tilespmem:s13], [sflag:$0x1] =	stream.indirect_vreg.gather [hbm4b:s8+s3], $0x80, v3, vm0, $0xb8;
	[tilespmem:$0x18200] =	vst v63  }
0x41: {  	s25 =	simm.s32 $0x6A00  }
0x42: {  	[tilespmem:s25], [sflag:$0x1] =	stream.indirect_vreg.gather [hbm4b:s9+s3], $0x80, v3, vm0, $0xb8;
	[tilespmem:$0x18200] =	vst v63  }
0x43: {  	s0 =	simm.s32 $0x7200  }
0x44: {  	[tilespmem:s0], [sflag:$0x1] =	stream.indirect_vreg.gather [hbm4b:s10+s3], $0x80, v3, vm0, $0xb8;
	[tilespmem:$0x18200] =	vst v63  }
0x45: {  	s13 =	simm.s32 $0x7A00  }
0x46: {  	[tilespmem:s13], [sflag:$0x1] =	stream.indirect_vreg.gather [hbm4b:s11+s3], $0x80, v3, vm0, $0xb8;
	[tilespmem:$0x18200] =	vst v63  }
0x47: {  	v3 =	vld.msk [tilespmem:$0x10], $0xff;
	_ =	sdelay $0x4  }
0x48: {  	v61 =	vshll.u32 v3, $0x4  }
0x49: {  	v3 =	vand.u32 $0x7, v3;
	v4 =	vand.u32 $0xFFFFFF80, v61  }
0x4a: {  	v3 =	vor.u32 v3, v4  }
0x4b: {  	v3 =	vperm.xlane v3, v0;
	_ =	sdelay $0x1  }
0x4c: {  	v3 =	vadd.s32 v1, v3;
	_ =	sdelay $0x3  }
0x4d: {  	s25 =	simm.s32 $0x8200  }
0x4e: {  	[tilespmem:s25], [sflag:$0x1] =	stream.indirect_vreg.gather [hbm4b:s2+s3], $0x80, v3, vm0, $0xb8;
	[tilespmem:$0x18200] =	vst v63  }
0x4f: {  	s0 =	simm.s32 $0x8A00  }
0x50: {  	[tilespmem:s0], [sflag:$0x1] =	stream.indirect_vreg.gather [hbm4b:s5+s3], $0x80, v3, vm0, $0xb8;
	[tilespmem:$0x18200] =	vst v63  }
0x51: {  	s13 =	simm.s32 $0x9200  }
0x52: {  	[tilespmem:s13], [sflag:$0x1] =	stream.indirect_vreg.gather [hbm4b:s6+s3], $0x80, v3, vm0, $0xb8;
	[tilespmem:$0x18200] =	vst v63  }
0x53: {  	s25 =	simm.s32 $0x9A00  }
0x54: {  	[tilespmem:s25], [sflag:$0x1] =	stream.indirect_vreg.gather [hbm4b:s7+s3], $0x80, v3, vm0, $0xb8;
	[tilespmem:$0x18200] =	vst v63  }
0x55: {  	s0 =	simm.s32 $0xA200  }
0x56: {  	[tilespmem:s0], [sflag:$0x1] =	stream.indirect_vreg.gather [hbm4b:s8+s3], $0x80, v3, vm0, $0xb8;
	[tilespmem:$0x18200] =	vst v63  }
0x57: {  	s13 =	simm.s32 $0xAA00  }
0x58: {  	[tilespmem:s13], [sflag:$0x1] =	stream.indirect_vreg.gather [hbm4b:s9+s3], $0x80, v3, vm0, $0xb8;
	[tilespmem:$0x18200] =	vst v63  }
0x59: {  	s25 =	simm.s32 $0xB200  }
0x5a: {  	[tilespmem:s25], [sflag:$0x1] =	stream.indirect_vreg.gather [hbm4b:s10+s3], $0x80, v3, vm0, $0xb8;
	[tilespmem:$0x18200] =	vst v63  }
0x5b: {  	s0 =	simm.s32 $0xBA00  }
0x5c: {  	[tilespmem:s0], [sflag:$0x1] =	stream.indirect_vreg.gather [hbm4b:s11+s3], $0x80, v3, vm0, $0xb8;
	[tilespmem:$0x18200] =	vst v63  }
0x5d: {  	v3 =	vld [tilespmem:$0x18];
	_ =	sdelay $0x4  }
0x5e: {  	v62 =	vshll.u32 v3, $0x4  }
0x5f: {  	v3 =	vand.u32 $0x7, v3;
	v4 =	vand.u32 $0xFFFFFF80, v62  }
0x60: {  	v3 =	vor.u32 v3, v4  }
0x61: {  	v4 =	vperm.xlane v3, v0;
	_ =	sdelay $0x1  }
0x62: {  	v4 =	vadd.s32 v1, v4;
	_ =	sdelay $0x4  }
0x63: {  	[tilespmem:s1], [sflag:$0x2] =	stream.indirect_vreg.gather [hbm4b:s2+s3], $0x80, v4, vm0, $0xb8;
	[tilespmem:$0x18200] =	vst v63  }
0x64: {  	s1 =	simm.s32 $0xCA00  }
0x65: {  	[tilespmem:s1], [sflag:$0x2] =	stream.indirect_vreg.gather [hbm4b:s5+s3], $0x80, v4, vm0, $0xb8;
	[tilespmem:$0x18200] =	vst v63  }
0x66: {  	s13 =	simm.s32 $0xD200  }
0x67: {  	[tilespmem:s13], [sflag:$0x2] =	stream.indirect_vreg.gather [hbm4b:s6+s3], $0x80, v4, vm0, $0xb8;
	[tilespmem:$0x18200] =	vst v63  }
0x68: {  	s25 =	simm.s32 $0xDA00  }
0x69: {  	[tilespmem:s25], [sflag:$0x2] =	stream.indirect_vreg.gather [hbm4b:s7+s3], $0x80, v4, vm0, $0xb8;
	[tilespmem:$0x18200] =	vst v63  }
0x6a: {  	s0 =	simm.s32 $0xE200  }
0x6b: {  	[tilespmem:s0], [sflag:$0x2] =	stream.indirect_vreg.gather [hbm4b:s8+s3], $0x80, v4, vm0, $0xb8;
	[tilespmem:$0x18200] =	vst v63  }
0x6c: {  	v3 =	vperm.xlane v3, v2;
	s1 =	simm.s32 $0xEA00  }
0x6d: {  	[tilespmem:s1], [sflag:$0x2] =	stream.indirect_vreg.gather [hbm4b:s9+s3], $0x80, v4, vm0, $0xb8;
	[tilespmem:$0x18200] =	vst v63  }
0x6e: {  	v3 =	vadd.s32 v1, v3;
	s13 =	simm.s32 $0xF200  }
0x6f: {  	[tilespmem:s13], [sflag:$0x2] =	stream.indirect_vreg.gather [hbm4b:s10+s3], $0x80, v4, vm0, $0xb8;
	[tilespmem:$0x18200] =	vst v63  }
0x70: {  	s25 =	simm.s32 $0xFA00  }
0x71: {  	[tilespmem:s25], [sflag:$0x2] =	stream.indirect_vreg.gather [hbm4b:s11+s3], $0x80, v4, vm0, $0xb8;
	[tilespmem:$0x18200] =	vst v63  }
0x72: {  	_ = 	snop  }
0x73: {  	[tilespmem:s26], [sflag:$0x2] =	stream.indirect_vreg.gather [hbm4b:s2+s3], $0x80, v3, vm0, $0xb8;
	[tilespmem:$0x18200] =	vst v63  }
0x74: {  	s13 =	simm.s32 $0x10A00  }
0x75: {  	[tilespmem:s13], [sflag:$0x2] =	stream.indirect_vreg.gather [hbm4b:s5+s3], $0x80, v3, vm0, $0xb8;
	[tilespmem:$0x18200] =	vst v63  }
0x76: {  	_ = 	snop  }
0x77: {  	[tilespmem:s28], [sflag:$0x2] =	stream.indirect_vreg.gather [hbm4b:s6+s3], $0x80, v3, vm0, $0xb8;
	[tilespmem:$0x18200] =	vst v63  }
0x78: {  	_ = 	snop  }
0x79: {  	[tilespmem:s14], [sflag:$0x2] =	stream.indirect_vreg.gather [hbm4b:s7+s3], $0x80, v3, vm0, $0xb8;
	[tilespmem:$0x18200] =	vst v63  }
0x7a: {  	_ = 	snop  }
0x7b: {  	[tilespmem:s29], [sflag:$0x2] =	stream.indirect_vreg.gather [hbm4b:s8+s3], $0x80, v3, vm0, $0xb8;
	[tilespmem:$0x18200] =	vst v63  }
0x7c: {  	_ = 	snop  }
0x7d: {  	[tilespmem:s15], [sflag:$0x2] =	stream.indirect_vreg.gather [hbm4b:s9+s3], $0x80, v3, vm0, $0xb8;
	[tilespmem:$0x18200] =	vst v63  }
0x7e: {  	_ = 	snop  }
0x7f: {  	[tilespmem:s30], [sflag:$0x2] =	stream.indirect_vreg.gather [hbm4b:s10+s3], $0x80, v3, vm0, $0xb8;
	[tilespmem:$0x18200] =	vst v63  }
0x80: {  	_ = 	snop  }
0x81: {  	[tilespmem:s16], [sflag:$0x2] =	stream.indirect_vreg.gather [hbm4b:s11+s3], $0x80, v3, vm0, $0xb8;
	[tilespmem:$0x18200] =	vst v63  }
0x82: {  	v3 =	vld.msk [tilespmem:$0x28], $0xff;
	_ =	sdelay $0x4  }
0x83: {  	v63 =	vshll.u32 v3, $0x4  }
0x84: {  	v3 =	vand.u32 $0x7, v3;
	v4 =	vand.u32 $0xFFFFFF80, v63  }
0x85: {  	v3 =	vor.u32 v3, v4  }
0x86: {  	v3 =	vperm.xlane v3, v0;
	_ =	sdelay $0x1  }
0x87: {  	v3 =	vadd.s32 v1, v3;
	_ =	sdelay $0x4  }
0x88: {  	[tilespmem:s19], [sflag:$0x2] =	stream.indirect_vreg.gather [hbm4b:s2+s3], $0x80, v3, vm0, $0xb8;
	[tilespmem:$0x18200] =	vst v63  }
0x89: {  	_ = 	snop  }
0x8a: {  	[tilespmem:s31], [sflag:$0x2] =	stream.indirect_vreg.gather [hbm4b:s5+s3], $0x80, v3, vm0, $0xb8;
	[tilespmem:$0x18200] =	vst v63  }
0x8b: {  	_ = 	snop  }
0x8c: {  	[tilespmem:s20], [sflag:$0x2] =	stream.indirect_vreg.gather [hbm4b:s6+s3], $0x80, v3, vm0, $0xb8;
	[tilespmem:$0x18200] =	vst v63  }
0x8d: {  	_ = 	snop  }
0x8e: {  	[tilespmem:s21], [sflag:$0x2] =	stream.indirect_vreg.gather [hbm4b:s7+s3], $0x80, v3, vm0, $0xb8;
	[tilespmem:$0x18200] =	vst v63  }
0x8f: {  	s0 =	simm.s32 $0x16200  }
0x90: {  	[tilespmem:s0], [sflag:$0x2] =	stream.indirect_vreg.gather [hbm4b:s8+s3], $0x80, v3, vm0, $0xb8;
	[tilespmem:$0x18200] =	vst v63  }
0x91: {  	s1 =	simm.s32 $0x16A00  }
0x92: {  	[tilespmem:s1], [sflag:$0x2] =	stream.indirect_vreg.gather [hbm4b:s9+s3], $0x80, v3, vm0, $0xb8;
	[tilespmem:$0x18200] =	vst v63  }
0x93: {  	_ = 	snop  }
0x94: {  	[tilespmem:s18], [sflag:$0x2] =	stream.indirect_vreg.gather [hbm4b:s10+s3], $0x80, v3, vm0, $0xb8;
	[tilespmem:$0x18200] =	vst v63  }
0x95: {  	s12 =	simm.s32 $0x0;
	s25 =	simm.s32 $0x58  }
0x96: {  	[tilespmem:s22], [sflag:$0x2] =	stream.indirect_vreg.gather [hbm4b:s11+s3], $0x80, v3, vm0, $0xb8;
	[tilespmem:$0x18200] =	vst v63  }
.LBB2_2:
0x97: {  	_ =	swait.ge [sflag:s23], $0xC000  }
0x98: {  	s26 =	rddreg [dreg:$0x4];
	[sflag:s23] =	ssyncset.done $0x0  }
0x99: {  	s14 =	simm.s32 $0x200;
	[sflag:s23] =	ssyncadd.s32 $0xFFFF4000;
	s26 =	sadd.s32 s12, s26  }
0x9a: {  	[hbm4b:s26+s3] =	stream.linear.scatter [tilespmem:s14], [sflag:$0x3], $0xC000, $0x38;
	[tilespmem:$0x18200] =	vst v63  }
0x9b: {  	_ =	swait.ge [sflag:s17], $0xC000  }
0x9c: {  	[sflag:s17] =	ssyncset.done $0x0  }
0x9d: {  	[sflag:s17] =	ssyncadd.s32 $0xFFFF4000  }
0x9e: {  	v3 =	vld [tilespmem:s25+$0xFFFFFFD8];
	_ =	sdelay $0x4  }
0x9f: {  	v4 =	vshll.u32 v3, $0x4  }
0xa0: {  	v3 =	vand.u32 $0x7, v3;
	v4 =	vand.u32 $0xFFFFFF80, v4  }
0xa1: {  	v3 =	vor.u32 v3, v4  }
0xa2: {  	v4 =	vperm.xlane v3, v0;
	_ =	sdelay $0x1  }
0xa3: {  	v4 =	vadd.s32 v1, v4;
	_ =	sdelay $0x4  }
0xa4: {  	[tilespmem:s14], [sflag:$0x1] =	stream.indirect_vreg.gather [hbm4b:s2+s3], $0x80, v4, vm0, $0xb8;
	[tilespmem:$0x18200] =	vst v63  }
0xa5: {  	s16 =	simm.s32 $0xA00  }
0xa6: {  	[tilespmem:s16], [sflag:$0x1] =	stream.indirect_vreg.gather [hbm4b:s5+s3], $0x80, v4, vm0, $0xb8;
	[tilespmem:$0x18200] =	vst v63  }
0xa7: {  	s14 =	simm.s32 $0x1200  }
0xa8: {  	[tilespmem:s14], [sflag:$0x1] =	stream.indirect_vreg.gather [hbm4b:s6+s3], $0x80, v4, vm0, $0xb8;
	[tilespmem:$0x18200] =	vst v63  }
0xa9: {  	s15 =	simm.s32 $0x1A00  }
0xaa: {  	[tilespmem:s15], [sflag:$0x1] =	stream.indirect_vreg.gather [hbm4b:s7+s3], $0x80, v4, vm0, $0xb8;
	[tilespmem:$0x18200] =	vst v63  }
0xab: {  	s16 =	simm.s32 $0x2200  }
0xac: {  	[tilespmem:s16], [sflag:$0x1] =	stream.indirect_vreg.gather [hbm4b:s8+s3], $0x80, v4, vm0, $0xb8;
	[tilespmem:$0x18200] =	vst v63  }
0xad: {  	v3 =	vperm.xlane v3, v2;
	s14 =	simm.s32 $0x2A00  }
0xae: {  	[tilespmem:s14], [sflag:$0x1] =	stream.indirect_vreg.gather [hbm4b:s9+s3], $0x80, v4, vm0, $0xb8;
	[tilespmem:$0x18200] =	vst v63  }
0xaf: {  	v3 =	vadd.s32 v1, v3;
	s15 =	simm.s32 $0x3200  }
0xb0: {  	[tilespmem:s15], [sflag:$0x1] =	stream.indirect_vreg.gather [hbm4b:s10+s3], $0x80, v4, vm0, $0xb8;
	[tilespmem:$0x18200] =	vst v63  }
0xb1: {  	s16 =	simm.s32 $0x3A00  }
0xb2: {  	[tilespmem:s16], [sflag:$0x1] =	stream.indirect_vreg.gather [hbm4b:s11+s3], $0x80, v4, vm0, $0xb8;
	[tilespmem:$0x18200] =	vst v63  }
0xb3: {  	s14 =	simm.s32 $0x4200  }
0xb4: {  	[tilespmem:s14], [sflag:$0x1] =	stream.indirect_vreg.gather [hbm4b:s2+s3], $0x80, v3, vm0, $0xb8;
	[tilespmem:$0x18200] =	vst v63  }
0xb5: {  	s15 =	simm.s32 $0x4A00  }
0xb6: {  	[tilespmem:s15], [sflag:$0x1] =	stream.indirect_vreg.gather [hbm4b:s5+s3], $0x80, v3, vm0, $0xb8;
	[tilespmem:$0x18200] =	vst v63  }
0xb7: {  	s16 =	simm.s32 $0x5200  }
0xb8: {  	[tilespmem:s16], [sflag:$0x1] =	stream.indirect_vreg.gather [hbm4b:s6+s3], $0x80, v3, vm0, $0xb8;
	[tilespmem:$0x18200] =	vst v63  }
0xb9: {  	s14 =	simm.s32 $0x5A00  }
0xba: {  	[tilespmem:s14], [sflag:$0x1] =	stream.indirect_vreg.gather [hbm4b:s7+s3], $0x80, v3, vm0, $0xb8;
	[tilespmem:$0x18200] =	vst v63  }
0xbb: {  	s15 =	simm.s32 $0x6200  }
0xbc: {  	[tilespmem:s15], [sflag:$0x1] =	stream.indirect_vreg.gather [hbm4b:s8+s3], $0x80, v3, vm0, $0xb8;
	[tilespmem:$0x18200] =	vst v63  }
0xbd: {  	s16 =	simm.s32 $0x6A00  }
0xbe: {  	[tilespmem:s16], [sflag:$0x1] =	stream.indirect_vreg.gather [hbm4b:s9+s3], $0x80, v3, vm0, $0xb8;
	[tilespmem:$0x18200] =	vst v63  }
0xbf: {  	s14 =	simm.s32 $0x7200  }
0xc0: {  	[tilespmem:s14], [sflag:$0x1] =	stream.indirect_vreg.gather [hbm4b:s10+s3], $0x80, v3, vm0, $0xb8;
	[tilespmem:$0x18200] =	vst v63  }
0xc1: {  	s15 =	simm.s32 $0x7A00  }
0xc2: {  	[tilespmem:s15], [sflag:$0x1] =	stream.indirect_vreg.gather [hbm4b:s11+s3], $0x80, v3, vm0, $0xb8;
	[tilespmem:$0x18200] =	vst v63  }
0xc3: {  	v3 =	vld.msk [tilespmem:s25+$0xFFFFFFE8], $0xff;
	_ =	sdelay $0x4  }
0xc4: {  	v61 =	vshll.u32 v3, $0x4  }
0xc5: {  	v3 =	vand.u32 $0x7, v3;
	v4 =	vand.u32 $0xFFFFFF80, v61  }
0xc6: {  	v3 =	vor.u32 v3, v4  }
0xc7: {  	v3 =	vperm.xlane v3, v0;
	_ =	sdelay $0x1  }
0xc8: {  	v3 =	vadd.s32 v1, v3;
	_ =	sdelay $0x3  }
0xc9: {  	s16 =	simm.s32 $0x8200  }
0xca: {  	[tilespmem:s16], [sflag:$0x1] =	stream.indirect_vreg.gather [hbm4b:s2+s3], $0x80, v3, vm0, $0xb8;
	[tilespmem:$0x18200] =	vst v63  }
0xcb: {  	s14 =	simm.s32 $0x8A00  }
0xcc: {  	[tilespmem:s14], [sflag:$0x1] =	stream.indirect_vreg.gather [hbm4b:s5+s3], $0x80, v3, vm0, $0xb8;
	[tilespmem:$0x18200] =	vst v63  }
0xcd: {  	s15 =	simm.s32 $0x9200  }
0xce: {  	[tilespmem:s15], [sflag:$0x1] =	stream.indirect_vreg.gather [hbm4b:s6+s3], $0x80, v3, vm0, $0xb8;
	[tilespmem:$0x18200] =	vst v63  }
0xcf: {  	s16 =	simm.s32 $0x9A00  }
0xd0: {  	[tilespmem:s16], [sflag:$0x1] =	stream.indirect_vreg.gather [hbm4b:s7+s3], $0x80, v3, vm0, $0xb8;
	[tilespmem:$0x18200] =	vst v63  }
0xd1: {  	s14 =	simm.s32 $0xA200  }
0xd2: {  	[tilespmem:s14], [sflag:$0x1] =	stream.indirect_vreg.gather [hbm4b:s8+s3], $0x80, v3, vm0, $0xb8;
	[tilespmem:$0x18200] =	vst v63  }
0xd3: {  	s15 =	simm.s32 $0xAA00  }
0xd4: {  	[tilespmem:s15], [sflag:$0x1] =	stream.indirect_vreg.gather [hbm4b:s9+s3], $0x80, v3, vm0, $0xb8;
	[tilespmem:$0x18200] =	vst v63  }
0xd5: {  	s16 =	simm.s32 $0xB200  }
0xd6: {  	[tilespmem:s16], [sflag:$0x1] =	stream.indirect_vreg.gather [hbm4b:s10+s3], $0x80, v3, vm0, $0xb8;
	[tilespmem:$0x18200] =	vst v63  }
0xd7: {  	s14 =	simm.s32 $0xBA00  }
0xd8: {  	[tilespmem:s14], [sflag:$0x1] =	stream.indirect_vreg.gather [hbm4b:s11+s3], $0x80, v3, vm0, $0xb8;
	[tilespmem:$0x18200] =	vst v63  }
0xd9: {  	_ =	swait.ge [sflag:s24], $0xC000  }
0xda: {  	s15 =	rddreg [dreg:$0x5];
	[sflag:s24] =	ssyncset.done $0x0  }
0xdb: {  	s16 =	simm.s32 $0xC200;
	[sflag:s24] =	ssyncadd.s32 $0xFFFF4000;
	s26 =	sadd.s32 s12, s15  }
0xdc: {  	[hbm4b:s26+s3] =	stream.linear.scatter [tilespmem:s16], [sflag:$0x4], $0xC000, $0x38;
	[tilespmem:$0x18200] =	vst v63  }
0xdd: {  	_ =	swait.ge [sflag:s4], $0xC000  }
0xde: {  	[sflag:s4] =	ssyncset.done $0x0  }
0xdf: {  	[sflag:s4] =	ssyncadd.s32 $0xFFFF4000  }
0xe0: {  	v3 =	vld [tilespmem:s25+$0xFFFFFFF0];
	_ =	sdelay $0x4  }
0xe1: {  	v62 =	vshll.u32 v3, $0x4  }
0xe2: {  	v3 =	vand.u32 $0x7, v3;
	v4 =	vand.u32 $0xFFFFFF80, v62  }
0xe3: {  	v3 =	vor.u32 v3, v4  }
0xe4: {  	v4 =	vperm.xlane v3, v0;
	_ =	sdelay $0x1  }
0xe5: {  	v4 =	vadd.s32 v1, v4;
	_ =	sdelay $0x4  }
0xe6: {  	[tilespmem:s16], [sflag:$0x2] =	stream.indirect_vreg.gather [hbm4b:s2+s3], $0x80, v4, vm0, $0xb8;
	[tilespmem:$0x18200] =	vst v63  }
0xe7: {  	s15 =	simm.s32 $0xCA00  }
0xe8: {  	[tilespmem:s15], [sflag:$0x2] =	stream.indirect_vreg.gather [hbm4b:s5+s3], $0x80, v4, vm0, $0xb8;
	[tilespmem:$0x18200] =	vst v63  }
0xe9: {  	s16 =	simm.s32 $0xD200  }
0xea: {  	[tilespmem:s16], [sflag:$0x2] =	stream.indirect_vreg.gather [hbm4b:s6+s3], $0x80, v4, vm0, $0xb8;
	[tilespmem:$0x18200] =	vst v63  }
0xeb: {  	s14 =	simm.s32 $0xDA00  }
0xec: {  	[tilespmem:s14], [sflag:$0x2] =	stream.indirect_vreg.gather [hbm4b:s7+s3], $0x80, v4, vm0, $0xb8;
	[tilespmem:$0x18200] =	vst v63  }
0xed: {  	s15 =	simm.s32 $0xE200  }
0xee: {  	[tilespmem:s15], [sflag:$0x2] =	stream.indirect_vreg.gather [hbm4b:s8+s3], $0x80, v4, vm0, $0xb8;
	[tilespmem:$0x18200] =	vst v63  }
0xef: {  	v3 =	vperm.xlane v3, v2;
	s16 =	simm.s32 $0xEA00  }
0xf0: {  	[tilespmem:s16], [sflag:$0x2] =	stream.indirect_vreg.gather [hbm4b:s9+s3], $0x80, v4, vm0, $0xb8;
	[tilespmem:$0x18200] =	vst v63  }
0xf1: {  	v3 =	vadd.s32 v1, v3;
	s15 =	simm.s32 $0xF200  }
0xf2: {  	[tilespmem:s15], [sflag:$0x2] =	stream.indirect_vreg.gather [hbm4b:s10+s3], $0x80, v4, vm0, $0xb8;
	[tilespmem:$0x18200] =	vst v63  }
0xf3: {  	s16 =	simm.s32 $0xFA00  }
0xf4: {  	[tilespmem:s16], [sflag:$0x2] =	stream.indirect_vreg.gather [hbm4b:s11+s3], $0x80, v4, vm0, $0xb8;
	[tilespmem:$0x18200] =	vst v63  }
0xf5: {  	s26 =	simm.s32 $0x10200  }
0xf6: {  	[tilespmem:s26], [sflag:$0x2] =	stream.indirect_vreg.gather [hbm4b:s2+s3], $0x80, v3, vm0, $0xb8;
	[tilespmem:$0x18200] =	vst v63  }
0xf7: {  	_ = 	snop  }
0xf8: {  	[tilespmem:s13], [sflag:$0x2] =	stream.indirect_vreg.gather [hbm4b:s5+s3], $0x80, v3, vm0, $0xb8;
	[tilespmem:$0x18200] =	vst v63  }
0xf9: {  	_ = 	snop  }
0xfa: {  	[tilespmem:s28], [sflag:$0x2] =	stream.indirect_vreg.gather [hbm4b:s6+s3], $0x80, v3, vm0, $0xb8;
	[tilespmem:$0x18200] =	vst v63  }
0xfb: {  	s14 =	simm.s32 $0x11A00  }
0xfc: {  	[tilespmem:s14], [sflag:$0x2] =	stream.indirect_vreg.gather [hbm4b:s7+s3], $0x80, v3, vm0, $0xb8;
	[tilespmem:$0x18200] =	vst v63  }
0xfd: {  	_ = 	snop  }
0xfe: {  	[tilespmem:s29], [sflag:$0x2] =	stream.indirect_vreg.gather [hbm4b:s8+s3], $0x80, v3, vm0, $0xb8;
	[tilespmem:$0x18200] =	vst v63  }
0xff: {  	s15 =	simm.s32 $0x12A00  }
0x100: {  	[tilespmem:s15], [sflag:$0x2] =	stream.indirect_vreg.gather [hbm4b:s9+s3], $0x80, v3, vm0, $0xb8;
	[tilespmem:$0x18200] =	vst v63  }
0x101: {  	_ = 	snop  }
0x102: {  	[tilespmem:s30], [sflag:$0x2] =	stream.indirect_vreg.gather [hbm4b:s10+s3], $0x80, v3, vm0, $0xb8;
	[tilespmem:$0x18200] =	vst v63  }
0x103: {  	s16 =	simm.s32 $0x13A00  }
0x104: {  	[tilespmem:s16], [sflag:$0x2] =	stream.indirect_vreg.gather [hbm4b:s11+s3], $0x80, v3, vm0, $0xb8;
	[tilespmem:$0x18200] =	vst v63  }
0x105: {  	v3 =	vld.msk [tilespmem:s25+$0x0], $0xff;
	_ =	sdelay $0x4  }
0x106: {  	v63 =	vshll.u32 v3, $0x4  }
0x107: {  	v3 =	vand.u32 $0x7, v3;
	v4 =	vand.u32 $0xFFFFFF80, v63  }
0x108: {  	v3 =	vor.u32 v3, v4  }
0x109: {  	v3 =	vperm.xlane v3, v0;
	_ =	sdelay $0x1  }
0x10a: {  	v3 =	vadd.s32 v1, v3;
	_ =	sdelay $0x4  }
0x10b: {  	[tilespmem:s19], [sflag:$0x2] =	stream.indirect_vreg.gather [hbm4b:s2+s3], $0x80, v3, vm0, $0xb8;
	[tilespmem:$0x18200] =	vst v63  }
0x10c: {  	_ = 	snop  }
0x10d: {  	[tilespmem:s31], [sflag:$0x2] =	stream.indirect_vreg.gather [hbm4b:s5+s3], $0x80, v3, vm0, $0xb8;
	[tilespmem:$0x18200] =	vst v63  }
0x10e: {  	_ = 	snop  }
0x10f: {  	[tilespmem:s20], [sflag:$0x2] =	stream.indirect_vreg.gather [hbm4b:s6+s3], $0x80, v3, vm0, $0xb8;
	[tilespmem:$0x18200] =	vst v63  }
0x110: {  	_ = 	snop  }
0x111: {  	[tilespmem:s21], [sflag:$0x2] =	stream.indirect_vreg.gather [hbm4b:s7+s3], $0x80, v3, vm0, $0xb8;
	[tilespmem:$0x18200] =	vst v63  }
0x112: {  	_ = 	snop  }
0x113: {  	[tilespmem:s0], [sflag:$0x2] =	stream.indirect_vreg.gather [hbm4b:s8+s3], $0x80, v3, vm0, $0xb8;
	[tilespmem:$0x18200] =	vst v63  }
0x114: {  	p0 =	sne.s32 s12, $0x18000  }
0x115: {  	[tilespmem:s1], [sflag:$0x2] =	stream.indirect_vreg.gather [hbm4b:s9+s3], $0x80, v3, vm0, $0xb8;
	[tilespmem:$0x18200] =	vst v63  }
.Ltmp0:
0x116: {  	_ = 	snop;
	(pc) =	sbr.rel @p0 .LBB2_2-.Ltmp0, $4  }
0x117: {  	_ = 	snop  }
0x118: {  	[tilespmem:s18], [sflag:$0x2] =	stream.indirect_vreg.gather [hbm4b:s10+s3], $0x80, v3, vm0, $0xb8;
	[tilespmem:$0x18200] =	vst v63  }
0x119: {  	s12 =	sadd.s32 $0x3000, s12;
	s25 =	sadd.s32 $0x30, s25  }
0x11a: {  	[tilespmem:s22], [sflag:$0x2] =	stream.indirect_vreg.gather [hbm4b:s11+s3], $0x80, v3, vm0, $0xb8;
	[tilespmem:$0x18200] =	vst v63  }
0x11b: {  	_ =	swait.ge [sflag:s23], $0xC000  }
0x11c: {  	[sflag:s23] =	ssyncset.done $0x0  }
0x11d: {  	s0 =	simm.s32 $0x200;
	s12 =	rddreg [dreg:$0x7];
	[sflag:s23] =	ssyncadd.s32 $0xFFFF4000  }
0x11e: {  	[hbm4b:s12+s3] =	stream.linear.scatter [tilespmem:s0], [sflag:$0x3], $0xC000, $0x38;
	[tilespmem:$0x18200] =	vst v63  }
0x11f: {  	_ =	swait.ge [sflag:s17], $0xC000  }
0x120: {  	[sflag:s17] =	ssyncset.done $0x0  }
0x121: {  	[sflag:s17] =	ssyncadd.s32 $0xFFFF4000  }
0x122: {  	v3 =	vld [tilespmem:$0x1E0];
	_ =	sdelay $0x4  }
0x123: {  	v4 =	vshll.u32 v3, $0x4  }
0x124: {  	v3 =	vand.u32 $0x7, v3;
	v4 =	vand.u32 $0xFFFFFF80, v4  }
0x125: {  	v3 =	vor.u32 v3, v4  }
0x126: {  	v4 =	vperm.xlane v3, v0;
	_ =	sdelay $0x1  }
0x127: {  	v4 =	vadd.s32 v1, v4;
	_ =	sdelay $0x4  }
0x128: {  	[tilespmem:s0], [sflag:$0x1] =	stream.indirect_vreg.gather [hbm4b:s2+s3], $0x80, v4, vm0, $0xb8;
	[tilespmem:$0x18200] =	vst v63  }
0x129: {  	s1 =	simm.s32 $0xA00  }
0x12a: {  	[tilespmem:s1], [sflag:$0x1] =	stream.indirect_vreg.gather [hbm4b:s5+s3], $0x80, v4, vm0, $0xb8;
	[tilespmem:$0x18200] =	vst v63  }
0x12b: {  	s13 =	simm.s32 $0x1200  }
0x12c: {  	[tilespmem:s13], [sflag:$0x1] =	stream.indirect_vreg.gather [hbm4b:s6+s3], $0x80, v4, vm0, $0xb8;
	[tilespmem:$0x18200] =	vst v63  }
0x12d: {  	s25 =	simm.s32 $0x1A00  }
0x12e: {  	[tilespmem:s25], [sflag:$0x1] =	stream.indirect_vreg.gather [hbm4b:s7+s3], $0x80, v4, vm0, $0xb8;
	[tilespmem:$0x18200] =	vst v63  }
0x12f: {  	s1 =	simm.s32 $0x2200  }
0x130: {  	[tilespmem:s1], [sflag:$0x1] =	stream.indirect_vreg.gather [hbm4b:s8+s3], $0x80, v4, vm0, $0xb8;
	[tilespmem:$0x18200] =	vst v63  }
0x131: {  	v3 =	vperm.xlane v3, v2;
	s13 =	simm.s32 $0x2A00  }
0x132: {  	[tilespmem:s13], [sflag:$0x1] =	stream.indirect_vreg.gather [hbm4b:s9+s3], $0x80, v4, vm0, $0xb8;
	[tilespmem:$0x18200] =	vst v63  }
0x133: {  	v3 =	vadd.s32 v1, v3;
	s25 =	simm.s32 $0x3200  }
0x134: {  	[tilespmem:s25], [sflag:$0x1] =	stream.indirect_vreg.gather [hbm4b:s10+s3], $0x80, v4, vm0, $0xb8;
	[tilespmem:$0x18200] =	vst v63  }
0x135: {  	s1 =	simm.s32 $0x3A00  }
0x136: {  	[tilespmem:s1], [sflag:$0x1] =	stream.indirect_vreg.gather [hbm4b:s11+s3], $0x80, v4, vm0, $0xb8;
	[tilespmem:$0x18200] =	vst v63  }
0x137: {  	s13 =	simm.s32 $0x4200  }
0x138: {  	[tilespmem:s13], [sflag:$0x1] =	stream.indirect_vreg.gather [hbm4b:s2+s3], $0x80, v3, vm0, $0xb8;
	[tilespmem:$0x18200] =	vst v63  }
0x139: {  	s25 =	simm.s32 $0x4A00  }
0x13a: {  	[tilespmem:s25], [sflag:$0x1] =	stream.indirect_vreg.gather [hbm4b:s5+s3], $0x80, v3, vm0, $0xb8;
	[tilespmem:$0x18200] =	vst v63  }
0x13b: {  	s1 =	simm.s32 $0x5200  }
0x13c: {  	[tilespmem:s1], [sflag:$0x1] =	stream.indirect_vreg.gather [hbm4b:s6+s3], $0x80, v3, vm0, $0xb8;
	[tilespmem:$0x18200] =	vst v63  }
0x13d: {  	s13 =	simm.s32 $0x5A00  }
0x13e: {  	[tilespmem:s13], [sflag:$0x1] =	stream.indirect_vreg.gather [hbm4b:s7+s3], $0x80, v3, vm0, $0xb8;
	[tilespmem:$0x18200] =	vst v63  }
0x13f: {  	s25 =	simm.s32 $0x6200  }
0x140: {  	[tilespmem:s25], [sflag:$0x1] =	stream.indirect_vreg.gather [hbm4b:s8+s3], $0x80, v3, vm0, $0xb8;
	[tilespmem:$0x18200] =	vst v63  }
0x141: {  	s1 =	simm.s32 $0x6A00  }
0x142: {  	[tilespmem:s1], [sflag:$0x1] =	stream.indirect_vreg.gather [hbm4b:s9+s3], $0x80, v3, vm0, $0xb8;
	[tilespmem:$0x18200] =	vst v63  }
0x143: {  	s13 =	simm.s32 $0x7200  }
0x144: {  	[tilespmem:s13], [sflag:$0x1] =	stream.indirect_vreg.gather [hbm4b:s10+s3], $0x80, v3, vm0, $0xb8;
	[tilespmem:$0x18200] =	vst v63  }
0x145: {  	s25 =	simm.s32 $0x7A00  }
0x146: {  	[tilespmem:s25], [sflag:$0x1] =	stream.indirect_vreg.gather [hbm4b:s11+s3], $0x80, v3, vm0, $0xb8;
	[tilespmem:$0x18200] =	vst v63  }
0x147: {  	v3 =	vld.msk [tilespmem:$0x1F0], $0xff;
	_ =	sdelay $0x4  }
0x148: {  	v62 =	vshll.u32 v3, $0x4  }
0x149: {  	v3 =	vand.u32 $0x7, v3;
	v4 =	vand.u32 $0xFFFFFF80, v62  }
0x14a: {  	v3 =	vor.u32 v3, v4  }
0x14b: {  	v3 =	vperm.xlane v3, v0;
	_ =	sdelay $0x1  }
0x14c: {  	v3 =	vadd.s32 v1, v3;
	_ =	sdelay $0x3  }
0x14d: {  	s1 =	simm.s32 $0x8200  }
0x14e: {  	[tilespmem:s1], [sflag:$0x1] =	stream.indirect_vreg.gather [hbm4b:s2+s3], $0x80, v3, vm0, $0xb8;
	[tilespmem:$0x18200] =	vst v63  }
0x14f: {  	s13 =	simm.s32 $0x8A00  }
0x150: {  	[tilespmem:s13], [sflag:$0x1] =	stream.indirect_vreg.gather [hbm4b:s5+s3], $0x80, v3, vm0, $0xb8;
	[tilespmem:$0x18200] =	vst v63  }
0x151: {  	s25 =	simm.s32 $0x9200  }
0x152: {  	[tilespmem:s25], [sflag:$0x1] =	stream.indirect_vreg.gather [hbm4b:s6+s3], $0x80, v3, vm0, $0xb8;
	[tilespmem:$0x18200] =	vst v63  }
0x153: {  	s1 =	simm.s32 $0x9A00  }
0x154: {  	[tilespmem:s1], [sflag:$0x1] =	stream.indirect_vreg.gather [hbm4b:s7+s3], $0x80, v3, vm0, $0xb8;
	[tilespmem:$0x18200] =	vst v63  }
0x155: {  	s13 =	simm.s32 $0xA200  }
0x156: {  	[tilespmem:s13], [sflag:$0x1] =	stream.indirect_vreg.gather [hbm4b:s8+s3], $0x80, v3, vm0, $0xb8;
	[tilespmem:$0x18200] =	vst v63  }
0x157: {  	s25 =	simm.s32 $0xAA00  }
0x158: {  	[tilespmem:s25], [sflag:$0x1] =	stream.indirect_vreg.gather [hbm4b:s9+s3], $0x80, v3, vm0, $0xb8;
	[tilespmem:$0x18200] =	vst v63  }
0x159: {  	s1 =	simm.s32 $0xB200  }
0x15a: {  	[tilespmem:s1], [sflag:$0x1] =	stream.indirect_vreg.gather [hbm4b:s10+s3], $0x80, v3, vm0, $0xb8;
	[tilespmem:$0x18200] =	vst v63  }
0x15b: {  	s13 =	simm.s32 $0xBA00  }
0x15c: {  	[tilespmem:s13], [sflag:$0x1] =	stream.indirect_vreg.gather [hbm4b:s11+s3], $0x80, v3, vm0, $0xb8;
	[tilespmem:$0x18200] =	vst v63  }
0x15d: {  	_ =	swait.ge [sflag:s24], $0xC000  }
0x15e: {  	[sflag:s24] =	ssyncset.done $0x0  }
0x15f: {  	s13 =	simm.s32 $0xC200;
	s25 =	rddreg [dreg:$0x8];
	[sflag:s24] =	ssyncadd.s32 $0xFFFF4000  }
0x160: {  	[hbm4b:s25+s3] =	stream.linear.scatter [tilespmem:s13], [sflag:$0x4], $0xC000, $0x38;
	[tilespmem:$0x18200] =	vst v63  }
0x161: {  	_ =	swait.ge [sflag:s4], $0xC000  }
0x162: {  	[sflag:s4] =	ssyncset.done $0x0  }
0x163: {  	[sflag:s4] =	ssyncadd.s32 $0xFFFF4000  }
0x164: {  	v3 =	vld.msk [tilespmem:$0x1F8], $0xff;
	_ =	sdelay $0x4  }
0x165: {  	v63 =	vshll.u32 v3, $0x4  }
0x166: {  	v3 =	vand.u32 $0x7, v3;
	v4 =	vand.u32 $0xFFFFFF80, v63  }
0x167: {  	v3 =	vor.u32 v3, v4  }
0x168: {  	v3 =	vperm.xlane v3, v0;
	_ =	sdelay $0x1  }
0x169: {  	v3 =	vadd.s32 v1, v3;
	_ =	sdelay $0x4  }
0x16a: {  	[tilespmem:s13], [sflag:$0x2] =	stream.indirect_vreg.gather [hbm4b:s2+s3], $0x80, v3, vm0, $0xb8;
	[tilespmem:$0x18200] =	vst v63  }
0x16b: {  	s1 =	simm.s32 $0xCA00  }
0x16c: {  	[tilespmem:s1], [sflag:$0x2] =	stream.indirect_vreg.gather [hbm4b:s5+s3], $0x80, v3, vm0, $0xb8;
	[tilespmem:$0x18200] =	vst v63  }
0x16d: {  	s25 =	simm.s32 $0xD200  }
0x16e: {  	[tilespmem:s25], [sflag:$0x2] =	stream.indirect_vreg.gather [hbm4b:s6+s3], $0x80, v3, vm0, $0xb8;
	[tilespmem:$0x18200] =	vst v63  }
0x16f: {  	s1 =	simm.s32 $0xDA00  }
0x170: {  	[tilespmem:s1], [sflag:$0x2] =	stream.indirect_vreg.gather [hbm4b:s7+s3], $0x80, v3, vm0, $0xb8;
	[tilespmem:$0x18200] =	vst v63  }
0x171: {  	s25 =	simm.s32 $0xE200  }
0x172: {  	[tilespmem:s25], [sflag:$0x2] =	stream.indirect_vreg.gather [hbm4b:s8+s3], $0x80, v3, vm0, $0xb8;
	[tilespmem:$0x18200] =	vst v63  }
0x173: {  	s1 =	simm.s32 $0xEA00  }
0x174: {  	[tilespmem:s1], [sflag:$0x2] =	stream.indirect_vreg.gather [hbm4b:s9+s3], $0x80, v3, vm0, $0xb8;
	[tilespmem:$0x18200] =	vst v63  }
0x175: {  	s25 =	simm.s32 $0xF200  }
0x176: {  	[tilespmem:s25], [sflag:$0x2] =	stream.indirect_vreg.gather [hbm4b:s10+s3], $0x80, v3, vm0, $0xb8;
	[tilespmem:$0x18200] =	vst v63  }
0x177: {  	s1 =	simm.s32 $0xFA00  }
0x178: {  	[tilespmem:s1], [sflag:$0x2] =	stream.indirect_vreg.gather [hbm4b:s11+s3], $0x80, v3, vm0, $0xb8;
	[tilespmem:$0x18200] =	vst v63  }
0x179: {  	_ =	swait.ge [sflag:s23], $0xC000  }
0x17a: {  	[sflag:s23] =	ssyncset.done $0x0  }
0x17b: {  	s25 =	rddreg [dreg:$0x9];
	[sflag:s23] =	ssyncadd.s32 $0xFFFF4000  }
0x17c: {  	[hbm4b:s25+s3] =	stream.linear.scatter [tilespmem:s0], [sflag:$0x3], $0xC000, $0x38;
	[tilespmem:$0x18200] =	vst v63  }
0x17d: {  	_ =	swait.ge [sflag:s17], $0xC000  }
0x17e: {  	[sflag:s17] =	ssyncset.done $0x0  }
0x17f: {  	[sflag:s17] =	ssyncadd.s32 $0xFFFF4000  }
0x180: {  	_ =	swait.ge [sflag:s24], $0x4000  }
0x181: {  	[sflag:s24] =	ssyncset.done $0x0  }
0x182: {  	s0 =	rddreg [dreg:$0xa];
	[sflag:s24] =	ssyncadd.s32 $0xFFFFC000  }
0x183: {  	[hbm4b:s0+s3] =	stream.linear.scatter [tilespmem:s13], [sflag:$0x4], $0x4000, $0x38;
	[tilespmem:$0x18200] =	vst v63  }
0x184: {  	_ =	swait.ge [sflag:s4], $0x4000  }
0x185: {  	s13 =	rddreg [dreg:$0xc]  }
0x186: {  	s25 =	rddreg [dreg:$0xb];
	s0 =	sadd.s32 $0x1, s13  }
0x187: {  	p0 =	sne.s32 s0, s25  }
.Ltmp1:
0x188: {  	_ = 	snop;
	(pc) =	sbr.rel @p0 .LBB2_1-.Ltmp1, $3  }
0x189: {  	_ =	sdelay $0x1  }
0x18a: {  	[sflag:s4] =	ssyncset.done $0x0  }
0x18b: {  	s1 =	simm.s32 $0xC200;
	[sflag:s4] =	ssyncadd.s32 $0xFFFFC000  }
0x18c: {  	_ =	sfence.sel $0x180000  }
0x18d: {  	[bflag:$0x0] =	sbarrier.arrive $0xFFFF  }
0x18e: {  	_ =	strace $0x90000047  }
0x18f: {  	s0 =	stileid.u32;
	[bflag:$0x2] =	sbarrier.arrive $0xFFFF  }
0x190: {  	p0 =	sne.s32 s0, $0x0;
	s0 =	rddreg [dreg:$0x3]  }
0x191: {  	s0 =	sadd.s32 @!p0 $0x100000, s0  }
0x192: {  	[sflag:s0] =	ssyncadd.tile.s32 @!p0 $0x1;
	_ =	shalt  }
.Lfunc_end2:
_tile_overlayer_lowered:
.L_overlay_start_2:
0x193: {  	(tag) =	ssettag $0x2  }
0x194: {  	s0 =	rddreg [dreg:$0x0];
	s2 =	stileid.u32  }
0x195: {  	s1 =	rddreg [dreg:$0x1];
	p0 =	sne.s32 s2, $0x0  }
0x196: {  	s3 =	rddreg [dreg:$0x2];
	[bflag:$0x3] =	sbarrier.arrive $0xFFFF;
	s2 =	simm.s32 @!p0 $0x1C05  }
0x197: {  	[timem:s3], [sflag:s2] =	dma.local @!p0 [hbm:s0], s1  }
0x198: {  	s0 =	simm.s32 @!p0 $0x5  }
0x199: {  	_ =	swait.ge @!p0 [sflag:s0], s1  }
0x19a: {  	s1 =	ssub.s32 @!p0 $0x0, s1;
	[sflag:s0] =	ssyncset.done @!p0 $0x0  }
0x19b: {  	[sflag:s0] =	ssyncadd.s32 @!p0 s1  }
0x19c: {  	[bflag:$0x3] =	sbarrier.arrive $0xFFFF  }
0x19d: {  	_ =	shalt  }

</sc_bundles>
